<compile_context>
chip_gen: v7x
topology: tpu7x:2x2x1
jax: 0.10.2.dev20260603
libtpu: 0.0.44.dev20260713+nightly
codegen_flags: <defaults>
</compile_context>

<pallas_src>
import functools

import jax
import jax.numpy as jnp
from jax import lax
from jax.experimental import pallas as pl
from jax.experimental.pallas import tpu as pltpu
from jax.experimental.pallas import tpu_sc as plsc

_NUM_BINS = 256
_NC, _NS, _LANES = 2, 16, 16
_NW = _NC * _NS
_ROW_TILE = 8
_COL_TILE = 128
_MAX_CHUNK_COLS = 6016


def _pick_chunk_cols(cols_main: int) -> int:
    best = _COL_TILE
    for cols in range(_COL_TILE, _MAX_CHUNK_COLS + 1, _COL_TILE):
        if cols_main % cols == 0:
            best = cols
    return best


@functools.lru_cache(maxsize=None)
def _make_sc_hist(length: int, num_channels: int):
    assert num_channels % _ROW_TILE == 0
    n_rt = num_channels // _ROW_TILE
    assert _NW % n_rt == 0
    n_q = _NW // n_rt
    cols_main = (length // (n_q * _COL_TILE)) * _COL_TILE
    covered = n_q * cols_main
    tail = length - covered
    assert 0 <= tail < _COL_TILE and tail % _LANES == 0
    chunk_c = _pick_chunk_cols(cols_main)
    nchunks = cols_main // chunk_c
    npairs = nchunks // 2
    odd_tail_chunk = nchunks % 2 == 1

    hist_words = _ROW_TILE * _NUM_BINS * _LANES
    out_words = _ROW_TILE * _NUM_BINS

    mesh = plsc.VectorSubcoreMesh(
        core_axis_name="c", subcore_axis_name="s",
        num_cores=_NC, num_subcores=_NS)

    @functools.partial(
        pl.kernel,
        out_type=jax.ShapeDtypeStruct((_NW * out_words,), jnp.int32),
        mesh=mesh,
        scratch_types=[
            pltpu.VMEM((_ROW_TILE, chunk_c), jnp.int32),
            pltpu.VMEM((_ROW_TILE, chunk_c), jnp.int32),
            pltpu.VMEM((hist_words,), jnp.int32),
            pltpu.VMEM((out_words,), jnp.int32),
            pltpu.SemaphoreType.DMA,
            pltpu.SemaphoreType.DMA,
        ],
        compiler_params=pltpu.CompilerParams(
            needs_layout_passes=False, use_tc_tiling_on_sc=True),
    )
    def hist_kernel(arr, *rest):
        if tail:
            tailarr, out, buf0, buf1, hist, outbuf, sem0, sem1 = rest
        else:
            out, buf0, buf1, hist, outbuf, sem0, sem1 = rest
        cid = lax.axis_index("c")
        sid = lax.axis_index("s")
        wid = sid * _NC + cid
        q = wid // n_rt
        rt = wid % n_rt
        row0 = rt * _ROW_TILE
        col_base = q * cols_main

        zeros16 = jnp.zeros((_LANES,), jnp.int32)

        @plsc.parallel_loop(0, hist_words // _LANES, unroll=8)
        def zero_body(i):
            hist[pl.ds(i * _LANES, _LANES)] = zeros16

        lane = lax.iota(jnp.int32, _LANES)
        cbs = [lane + c8 * (_NUM_BINS * _LANES) for c8 in range(_ROW_TILE)]
        ones16 = jnp.ones((_LANES,), jnp.int32)

        def process(buf, ncols, xvec):
            @plsc.parallel_loop(0, ncols // _LANES, unroll=8)
            def g_body(g):
                base = g * _LANES
                for c8, cb in enumerate(cbs):
                    v = buf[c8, pl.ds(base, _LANES)]
                    idx = v * _LANES + cb
                    plsc.addupdate_scatter(hist, [idx], xvec)

        def issue(c, buf, sem):
            off = pl.multiple_of(col_base + c * chunk_c, _COL_TILE)
            return pltpu.async_copy(
                arr.at[pl.ds(row0, _ROW_TILE), pl.ds(off, chunk_c)], buf, sem)

        def wait(buf, sem):
            pltpu.make_async_copy(
                arr.at[pl.ds(0, _ROW_TILE), pl.ds(0, chunk_c)], buf, sem
            ).wait()

        issue(0, buf0, sem0)
        if nchunks > 1:
            issue(1, buf1, sem1)

        def pair_body(k, carry):
            wait(buf0, sem0)
            process(buf0, chunk_c, ones16)

            @pl.when(2 * k + 2 < nchunks)
            def _i0():
                issue(2 * k + 2, buf0, sem0)

            wait(buf1, sem1)
            process(buf1, chunk_c, ones16)

            @pl.when(2 * k + 3 < nchunks)
            def _i1():
                issue(2 * k + 3, buf1, sem1)

            return carry

        lax.fori_loop(0, npairs, pair_body, 0)

        if odd_tail_chunk:
            wait(buf0, sem0)
            process(buf0, chunk_c, ones16)

        if tail:
            pad_fix = jnp.full((_LANES,), -((_COL_TILE - tail) // _LANES),
                               jnp.int32)

            @pl.when(q == n_q - 1)
            def _tail():
                pltpu.sync_copy(
                    tailarr.at[pl.ds(row0, _ROW_TILE), pl.ds(0, _COL_TILE)],
                    buf0.at[pl.ds(0, _ROW_TILE), pl.ds(0, _COL_TILE)])
                process(buf0, _COL_TILE, ones16)
                for cb in cbs:
                    plsc.addupdate_scatter(hist, [cb], pad_fix)

        gidx = [lane * _LANES + l for l in range(_LANES)]

        @plsc.parallel_loop(0, out_words // _LANES)
        def red_body(i):
            b0 = i * _LANES
            off = b0 * _LANES
            acc = plsc.load_gather(hist, [gidx[0] + off])
            for l in range(1, _LANES):
                acc = acc + plsc.load_gather(hist, [gidx[l] + off])
            outbuf[pl.ds(b0, _LANES)] = acc

        pltpu.sync_copy(outbuf, out.at[pl.ds(wid * out_words, out_words)])

    return hist_kernel


def kernel(array):
    length, num_channels = array.shape
    n_rt = num_channels // _ROW_TILE
    n_q = _NW // n_rt
    covered = n_q * ((length // (n_q * _COL_TILE)) * _COL_TILE)
    tail = length - covered
    args = [array.T]
    if tail:
        tail_t = lax.slice(array, (covered, 0), (length, num_channels)).T
        args.append(jnp.pad(tail_t, ((0, 0), (0, _COL_TILE - tail))))
    partials = _make_sc_hist(length, num_channels)(*args)
    return partials.reshape(n_q, num_channels, _NUM_BINS).sum(axis=0)

# --- scband reference (transcript-rebuilt; emitter-appended) ---
"""Pipeline reference for scband-model-13572096655821 (READ-ONLY COPY).

The authoritative reference and input builder live on the scoring server;
editing this copy changes nothing except your own understanding.
"""

import jax, jax.numpy as jnp
import numpy as np

LENGTH = 1000000
NUM_CHANNELS = 64
NUM_BINS = 256


def setup_inputs(seed: int = 0) -> dict:
    key = jax.random.key(seed)
    # int32 used (jax default int width); values in [0, NUM_BINS)
    array = jax.random.randint(key, (LENGTH, NUM_CHANNELS), 0, NUM_BINS, dtype=jnp.int32)
    return {"array": array}


def reference(array) -> jnp.ndarray:
    # Faithful translation of the per-channel bincount loop as a single
    # scatter-add: histogram[c, b] += 1 for every element array[l, c] == b.
    length, num_channels = array.shape
    histogram = jnp.zeros((num_channels, NUM_BINS), dtype=jnp.int32)
    ch_idx = jnp.broadcast_to(jnp.arange(num_channels, dtype=array.dtype)[None, :], array.shape)
    histogram = histogram.at[ch_idx, array].add(jnp.int32(1))
    return histogram

if __name__ == "__main__":
    import jax
    _d = setup_inputs()
    print(jax.jit(kernel)(*tuple(_d.values())))

</pallas_src>

<mosaic_0001>
#map = affine_map<(d0, d1) -> (0, 0)>
#map1 = affine_map<(d0, d1) -> (0)>
module attributes {stable_mosaic.version = 14 : i64} {
  func.func @hist_kernel(%arg0: i32, %arg1: i32, %arg2: memref<64x1000000xi32, #tpu.memory_space<hbm>>, %arg3: memref<64x128xi32, #tpu.memory_space<hbm>>, %arg4: memref<65536xi32, #tpu.memory_space<hbm>>, %arg5: memref<8x3968xi32, #tpu.memory_space<vmem>>, %arg6: memref<8x3968xi32, #tpu.memory_space<vmem>>, %arg7: memref<32768xi32, #tpu.memory_space<vmem>>, %arg8: memref<2048xi32, #tpu.memory_space<vmem>>, %arg9: memref<!tpu.dma_semaphore, #tpu.memory_space<semaphore_mem>>, %arg10: memref<!tpu.dma_semaphore, #tpu.memory_space<semaphore_mem>>) attributes {dimension_semantics = [#tpu.dimension_semantics<core_parallel>, #tpu.dimension_semantics<subcore_parallel>], iteration_bounds = array<i64: 2, 16>, scalar_prefetch = 0 : i64, scratch_operands = 6 : i64, tpu.core_type = #tpu.core_type<sc_vector_subcore>, window_params = [{transform_indices = #map}, {transform_indices = #map}, {transform_indices = #map1}]} {
    %mul3A = arith.constant 2 : i32
    %mul3A_0 = arith.muli %arg1, %mul3A : i32
    %add3A = arith.addi %mul3A_0, %arg0 : i32
    %jit3A = arith.constant 8 : i32
    %div3A = arith.divsi %add3A, %jit3A : i32
    %sign3A = arith.constant 0 : i32
    %sign3A_1 = arith.cmpi sgt, %add3A, %sign3A : i32
    %sign3A_2 = arith.extui %sign3A_1 : i1 to i32
    %sign3A_3 = arith.constant 0 : i32
    %sign3A_4 = arith.cmpi slt, %add3A, %sign3A_3 : i32
    %sign3A_5 = arith.extui %sign3A_4 : i1 to i32
    %sign3A_6 = arith.subi %sign3A_2, %sign3A_5 : i32
    %sign3A_7 = arith.constant 0 : i32
    %sign3A_8 = arith.cmpi sgt, %jit3A, %sign3A_7 : i32
    %sign3A_9 = arith.extui %sign3A_8 : i1 to i32
    %sign3A_10 = arith.constant 0 : i32
    %sign3A_11 = arith.cmpi slt, %jit3A, %sign3A_10 : i32
    %sign3A_12 = arith.extui %sign3A_11 : i1 to i32
    %sign3A_13 = arith.subi %sign3A_9, %sign3A_12 : i32
    %ne3A = arith.cmpi ne, %sign3A_6, %sign3A_13 : i32
    %rem3A = arith.remsi %add3A, %jit3A : i32
    %ne3A_14 = arith.constant 0 : i32
    %ne3A_15 = arith.cmpi ne, %rem3A, %ne3A_14 : i32
    %and3A = arith.andi %ne3A, %ne3A_15 : i1
    %sub3A = arith.constant 1 : i32
    %sub3A_16 = arith.subi %div3A, %sub3A : i32
    %select_n3A = arith.select %and3A, %sub3A_16, %div3A : i32
    %jit3A_17 = arith.constant 8 : i32
    %eq3A = arith.constant 0 : i32
    %eq3A_18 = arith.cmpi eq, %jit3A_17, %eq3A : i32
    %jit3A_19 = arith.constant 1 : i32
    %select_n3A_20 = arith.select %eq3A_18, %jit3A_19, %jit3A_17 : i32
    %rem3A_21 = arith.remsi %add3A, %select_n3A_20 : i32
    %ne3A_22 = arith.constant 0 : i32
    %ne3A_23 = arith.cmpi ne, %rem3A_21, %ne3A_22 : i32
    %lt3A = arith.constant 0 : i32
    %lt3A_24 = arith.cmpi slt, %rem3A_21, %lt3A : i32
    %lt3A_25 = arith.constant 0 : i32
    %lt3A_26 = arith.cmpi slt, %select_n3A_20, %lt3A_25 : i32
    %ne3A_27 = arith.xori %lt3A_24, %lt3A_26 : i1
    %and3A_28 = arith.andi %ne3A_27, %ne3A_23 : i1
    %add3A_29 = arith.addi %rem3A_21, %select_n3A_20 : i32
    %select_n3A_30 = arith.select %and3A_28, %add3A_29, %rem3A_21 : i32
    %mul3A_31 = arith.constant 8 : i32
    %mul3A_32 = arith.muli %select_n3A_30, %mul3A_31 : i32
    %mul3A_33 = arith.constant 249984 : i32
    %mul3A_34 = arith.muli %select_n3A, %mul3A_33 : i32
    %broadcast_in_dim3A = arith.constant 0 : i32
    %broadcast_in_dim3A_35 = vector.broadcast %broadcast_in_dim3A : i32 to vector<16xi32>
    %parallel_loop3A = arith.constant 0 : i32
    %parallel_loop3A_36 = arith.constant 2048 : i32
    %parallel_loop3A_37 = arith.constant 1 : i32
    scf.for %parallel_loop3A_191 = %parallel_loop3A to %parallel_loop3A_36 step %parallel_loop3A_37  : i32 {
      %parallel_loop3A_192 = arith.constant 16 : i32
      %parallel_loop3A_193 = arith.muli %parallel_loop3A_191, %parallel_loop3A_192 : i32
      %parallel_loop3A_194 = arith.index_cast %parallel_loop3A_193 : i32 to index
      %parallel_loop3A_195 = tpu.vector_load %arg7[%parallel_loop3A_194] {strides = array<i32>} : memref<32768xi32, #tpu.memory_space<vmem>>, vector<16xi32>,
      tpu.vector_store %arg7[%parallel_loop3A_194], %broadcast_in_dim3A_35 {strides = array<i32>} : memref<32768xi32, #tpu.memory_space<vmem>>, vector<16xi32>,
    } {sc.loop_unroll_factor = 8 : i64, sc.parallel_access}
    %iota3A = tpu.iota {dimensions = array<i32: 0>} : vector<16xi32>
    %add3A_38 = arith.constant 0 : i32
    %add3A_39 = vector.broadcast %add3A_38 : i32 to vector<16xi32>
    %add3A_40 = arith.addi %iota3A, %add3A_39 : vector<16xi32>
    %add3A_41 = arith.constant 4096 : i32
    %add3A_42 = vector.broadcast %add3A_41 : i32 to vector<16xi32>
    %add3A_43 = arith.addi %iota3A, %add3A_42 : vector<16xi32>
    %add3A_44 = arith.constant 8192 : i32
    %add3A_45 = vector.broadcast %add3A_44 : i32 to vector<16xi32>
    %add3A_46 = arith.addi %iota3A, %add3A_45 : vector<16xi32>
    %add3A_47 = arith.constant 12288 : i32
    %add3A_48 = vector.broadcast %add3A_47 : i32 to vector<16xi32>
    %add3A_49 = arith.addi %iota3A, %add3A_48 : vector<16xi32>
    %add3A_50 = arith.constant 16384 : i32
    %add3A_51 = vector.broadcast %add3A_50 : i32 to vector<16xi32>
    %add3A_52 = arith.addi %iota3A, %add3A_51 : vector<16xi32>
    %add3A_53 = arith.constant 20480 : i32
    %add3A_54 = vector.broadcast %add3A_53 : i32 to vector<16xi32>
    %add3A_55 = arith.addi %iota3A, %add3A_54 : vector<16xi32>
    %add3A_56 = arith.constant 24576 : i32
    %add3A_57 = vector.broadcast %add3A_56 : i32 to vector<16xi32>
    %add3A_58 = arith.addi %iota3A, %add3A_57 : vector<16xi32>
    %add3A_59 = arith.constant 28672 : i32
    %add3A_60 = vector.broadcast %add3A_59 : i32 to vector<16xi32>
    %add3A_61 = arith.addi %iota3A, %add3A_60 : vector<16xi32>
    %broadcast_in_dim3A_62 = arith.constant 1 : i32
    %broadcast_in_dim3A_63 = vector.broadcast %broadcast_in_dim3A_62 : i32 to vector<16xi32>
    %add3A_64 = arith.constant 0 : i32
    %add3A_65 = arith.addi %mul3A_34, %add3A_64 : i32
    %multiple_of3A = tpu.assume_multiple %add3A_65, 128 : i32
    %dma_start3A = tpu.memref_slice %arg2[%mul3A_32, %multiple_of3A] : memref<64x1000000xi32, #tpu.memory_space<hbm>> -> memref<8x3968xi32, #tpu.memory_space<hbm>>
    %dma_start3A_66 = tpu.memref_slice %arg2[%mul3A_32, %multiple_of3A] : memref<64x1000000xi32, #tpu.memory_space<hbm>> -> memref<8x3968xi32, #tpu.memory_space<hbm>>
    tpu.enqueue_dma source(%dma_start3A_66 : memref<8x3968xi32, #tpu.memory_space<hbm>>) target(%arg5 : memref<8x3968xi32, #tpu.memory_space<vmem>>) target_semaphore(%arg9 : memref<!tpu.dma_semaphore, #tpu.memory_space<semaphore_mem>>)
    %add3A_67 = arith.constant 3968 : i32
    %add3A_68 = arith.addi %mul3A_34, %add3A_67 : i32
    %multiple_of3A_69 = tpu.assume_multiple %add3A_68, 128 : i32
    %dma_start3A_70 = tpu.memref_slice %arg2[%mul3A_32, %multiple_of3A_69] : memref<64x1000000xi32, #tpu.memory_space<hbm>> -> memref<8x3968xi32, #tpu.memory_space<hbm>>
    %dma_start3A_71 = tpu.memref_slice %arg2[%mul3A_32, %multiple_of3A_69] : memref<64x1000000xi32, #tpu.memory_space<hbm>> -> memref<8x3968xi32, #tpu.memory_space<hbm>>
    tpu.enqueue_dma source(%dma_start3A_71 : memref<8x3968xi32, #tpu.memory_space<hbm>>) target(%arg6 : memref<8x3968xi32, #tpu.memory_space<vmem>>) target_semaphore(%arg10 : memref<!tpu.dma_semaphore, #tpu.memory_space<semaphore_mem>>)
    %scan3A = arith.constant 0 : i32
    %scan3A_72 = arith.constant 0 : i32
    %scan3A_73 = arith.constant 31 : i32
    %scan3A_74 = arith.addi %scan3A_72, %scan3A_73 : i32
    %scan3A_75 = arith.constant 1 : i32
    scf.for %scan3A_191 = %scan3A_72 to %scan3A_74 step %scan3A_75  : i32 {
      %dma_wait3A_192 = arith.constant 0 : i32
      %dma_wait3A_193 = arith.constant 0 : i32
      %dma_wait3A_194 = tpu.memref_slice %arg2[%dma_wait3A_192, %dma_wait3A_193] : memref<64x1000000xi32, #tpu.memory_space<hbm>> -> memref<8x3968xi32, #tpu.memory_space<hbm>>
      %dma_wait3A_195 = arith.constant 0 : i32
      %dma_wait3A_196 = arith.constant 0 : i32
      %dma_wait3A_197 = tpu.memref_slice %arg2[%dma_wait3A_195, %dma_wait3A_196] : memref<64x1000000xi32, #tpu.memory_space<hbm>> -> memref<8x3968xi32, #tpu.memory_space<hbm>>
      tpu.wait_dma2 semaphore(%arg9 : memref<!tpu.dma_semaphore, #tpu.memory_space<semaphore_mem>>) src(%dma_wait3A_197 : memref<8x3968xi32, #tpu.memory_space<hbm>>) dst(%arg5 : memref<8x3968xi32, #tpu.memory_space<vmem>>)
      %parallel_loop3A_198 = arith.constant 0 : i32
      %parallel_loop3A_199 = arith.constant 248 : i32
      %parallel_loop3A_200 = arith.constant 1 : i32
      scf.for %parallel_loop3A_228 = %parallel_loop3A_198 to %parallel_loop3A_199 step %parallel_loop3A_200  : i32 {
        %parallel_loop3A_229 = arith.constant 16 : i32
        %parallel_loop3A_230 = arith.muli %parallel_loop3A_228, %parallel_loop3A_229 : i32
        %parallel_loop3A_231 = arith.constant 0 : i32
        %parallel_loop3A_232 = arith.index_cast %parallel_loop3A_231 : i32 to index
        %parallel_loop3A_233 = arith.index_cast %parallel_loop3A_230 : i32 to index
        %parallel_loop3A_234 = tpu.vector_load %arg5[%parallel_loop3A_232, %parallel_loop3A_233] {strides = array<i32>} : memref<8x3968xi32, #tpu.memory_space<vmem>>, vector<16xi32>,
        %parallel_loop3A_235 = arith.constant 16 : i32
        %parallel_loop3A_236 = vector.broadcast %parallel_loop3A_235 : i32 to vector<16xi32>
        %parallel_loop3A_237 = arith.muli %parallel_loop3A_234, %parallel_loop3A_236 : vector<16xi32>
        %parallel_loop3A_238 = arith.addi %parallel_loop3A_237, %add3A_40 : vector<16xi32>
        tpu.vector_store_idx %arg7[%parallel_loop3A_238], %broadcast_in_dim3A_63 {add = true} : memref<32768xi32, #tpu.memory_space<vmem>>[vector<16xi32>], vector<16xi32>,
        %parallel_loop3A_239 = arith.constant 1 : i32
        %parallel_loop3A_240 = arith.index_cast %parallel_loop3A_239 : i32 to index
        %parallel_loop3A_241 = arith.index_cast %parallel_loop3A_230 : i32 to index
        %parallel_loop3A_242 = tpu.vector_load %arg5[%parallel_loop3A_240, %parallel_loop3A_241] {strides = array<i32>} : memref<8x3968xi32, #tpu.memory_space<vmem>>, vector<16xi32>,
        %parallel_loop3A_243 = arith.constant 16 : i32
        %parallel_loop3A_244 = vector.broadcast %parallel_loop3A_243 : i32 to vector<16xi32>
        %parallel_loop3A_245 = arith.muli %parallel_loop3A_242, %parallel_loop3A_244 : vector<16xi32>
        %parallel_loop3A_246 = arith.addi %parallel_loop3A_245, %add3A_43 : vector<16xi32>
        tpu.vector_store_idx %arg7[%parallel_loop3A_246], %broadcast_in_dim3A_63 {add = true} : memref<32768xi32, #tpu.memory_space<vmem>>[vector<16xi32>], vector<16xi32>,
        %parallel_loop3A_247 = arith.constant 2 : i32
        %parallel_loop3A_248 = arith.index_cast %parallel_loop3A_247 : i32 to index
        %parallel_loop3A_249 = arith.index_cast %parallel_loop3A_230 : i32 to index
        %parallel_loop3A_250 = tpu.vector_load %arg5[%parallel_loop3A_248, %parallel_loop3A_249] {strides = array<i32>} : memref<8x3968xi32, #tpu.memory_space<vmem>>, vector<16xi32>,
        %parallel_loop3A_251 = arith.constant 16 : i32
        %parallel_loop3A_252 = vector.broadcast %parallel_loop3A_251 : i32 to vector<16xi32>
        %parallel_loop3A_253 = arith.muli %parallel_loop3A_250, %parallel_loop3A_252 : vector<16xi32>
        %parallel_loop3A_254 = arith.addi %parallel_loop3A_253, %add3A_46 : vector<16xi32>
        tpu.vector_store_idx %arg7[%parallel_loop3A_254], %broadcast_in_dim3A_63 {add = true} : memref<32768xi32, #tpu.memory_space<vmem>>[vector<16xi32>], vector<16xi32>,
        %parallel_loop3A_255 = arith.constant 3 : i32
        %parallel_loop3A_256 = arith.index_cast %parallel_loop3A_255 : i32 to index
        %parallel_loop3A_257 = arith.index_cast %parallel_loop3A_230 : i32 to index
        %parallel_loop3A_258 = tpu.vector_load %arg5[%parallel_loop3A_256, %parallel_loop3A_257] {strides = array<i32>} : memref<8x3968xi32, #tpu.memory_space<vmem>>, vector<16xi32>,
        %parallel_loop3A_259 = arith.constant 16 : i32
        %parallel_loop3A_260 = vector.broadcast %parallel_loop3A_259 : i32 to vector<16xi32>
        %parallel_loop3A_261 = arith.muli %parallel_loop3A_258, %parallel_loop3A_260 : vector<16xi32>
        %parallel_loop3A_262 = arith.addi %parallel_loop3A_261, %add3A_49 : vector<16xi32>
        tpu.vector_store_idx %arg7[%parallel_loop3A_262], %broadcast_in_dim3A_63 {add = true} : memref<32768xi32, #tpu.memory_space<vmem>>[vector<16xi32>], vector<16xi32>,
        %parallel_loop3A_263 = arith.constant 4 : i32
        %parallel_loop3A_264 = arith.index_cast %parallel_loop3A_263 : i32 to index
        %parallel_loop3A_265 = arith.index_cast %parallel_loop3A_230 : i32 to index
        %parallel_loop3A_266 = tpu.vector_load %arg5[%parallel_loop3A_264, %parallel_loop3A_265] {strides = array<i32>} : memref<8x3968xi32, #tpu.memory_space<vmem>>, vector<16xi32>,
        %parallel_loop3A_267 = arith.constant 16 : i32
        %parallel_loop3A_268 = vector.broadcast %parallel_loop3A_267 : i32 to vector<16xi32>
        %parallel_loop3A_269 = arith.muli %parallel_loop3A_266, %parallel_loop3A_268 : vector<16xi32>
        %parallel_loop3A_270 = arith.addi %parallel_loop3A_269, %add3A_52 : vector<16xi32>
        tpu.vector_store_idx %arg7[%parallel_loop3A_270], %broadcast_in_dim3A_63 {add = true} : memref<32768xi32, #tpu.memory_space<vmem>>[vector<16xi32>], vector<16xi32>,
        %parallel_loop3A_271 = arith.constant 5 : i32
        %parallel_loop3A_272 = arith.index_cast %parallel_loop3A_271 : i32 to index
        %parallel_loop3A_273 = arith.index_cast %parallel_loop3A_230 : i32 to index
        %parallel_loop3A_274 = tpu.vector_load %arg5[%parallel_loop3A_272, %parallel_loop3A_273] {strides = array<i32>} : memref<8x3968xi32, #tpu.memory_space<vmem>>, vector<16xi32>,
        %parallel_loop3A_275 = arith.constant 16 : i32
        %parallel_loop3A_276 = vector.broadcast %parallel_loop3A_275 : i32 to vector<16xi32>
        %parallel_loop3A_277 = arith.muli %parallel_loop3A_274, %parallel_loop3A_276 : vector<16xi32>
        %parallel_loop3A_278 = arith.addi %parallel_loop3A_277, %add3A_55 : vector<16xi32>
        tpu.vector_store_idx %arg7[%parallel_loop3A_278], %broadcast_in_dim3A_63 {add = true} : memref<32768xi32, #tpu.memory_space<vmem>>[vector<16xi32>], vector<16xi32>,
        %parallel_loop3A_279 = arith.constant 6 : i32
        %parallel_loop3A_280 = arith.index_cast %parallel_loop3A_279 : i32 to index
        %parallel_loop3A_281 = arith.index_cast %parallel_loop3A_230 : i32 to index
        %parallel_loop3A_282 = tpu.vector_load %arg5[%parallel_loop3A_280, %parallel_loop3A_281] {strides = array<i32>} : memref<8x3968xi32, #tpu.memory_space<vmem>>, vector<16xi32>,
        %parallel_loop3A_283 = arith.constant 16 : i32
        %parallel_loop3A_284 = vector.broadcast %parallel_loop3A_283 : i32 to vector<16xi32>
        %parallel_loop3A_285 = arith.muli %parallel_loop3A_282, %parallel_loop3A_284 : vector<16xi32>
        %parallel_loop3A_286 = arith.addi %parallel_loop3A_285, %add3A_58 : vector<16xi32>
        tpu.vector_store_idx %arg7[%parallel_loop3A_286], %broadcast_in_dim3A_63 {add = true} : memref<32768xi32, #tpu.memory_space<vmem>>[vector<16xi32>], vector<16xi32>,
        %parallel_loop3A_287 = arith.constant 7 : i32
        %parallel_loop3A_288 = arith.index_cast %parallel_loop3A_287 : i32 to index
        %parallel_loop3A_289 = arith.index_cast %parallel_loop3A_230 : i32 to index
        %parallel_loop3A_290 = tpu.vector_load %arg5[%parallel_loop3A_288, %parallel_loop3A_289] {strides = array<i32>} : memref<8x3968xi32, #tpu.memory_space<vmem>>, vector<16xi32>,
        %parallel_loop3A_291 = arith.constant 16 : i32
        %parallel_loop3A_292 = vector.broadcast %parallel_loop3A_291 : i32 to vector<16xi32>
        %parallel_loop3A_293 = arith.muli %parallel_loop3A_290, %parallel_loop3A_292 : vector<16xi32>
        %parallel_loop3A_294 = arith.addi %parallel_loop3A_293, %add3A_61 : vector<16xi32>
        tpu.vector_store_idx %arg7[%parallel_loop3A_294], %broadcast_in_dim3A_63 {add = true} : memref<32768xi32, #tpu.memory_space<vmem>>[vector<16xi32>], vector<16xi32>,
      } {sc.loop_unroll_factor = 8 : i64, sc.parallel_access}
      %mul3A_201 = arith.constant 2 : i32
      %mul3A_202 = arith.muli %mul3A_201, %scan3A_191 : i32
      %add3A_203 = arith.constant 2 : i32
      %add3A_204 = arith.addi %mul3A_202, %add3A_203 : i32
      %lt3A_205 = arith.constant 63 : i32
      %lt3A_206 = arith.cmpi slt, %add3A_204, %lt3A_205 : i32
      %convert_element_type3A_207 = arith.extui %lt3A_206 : i1 to i32
      %cond3A_208 = arith.constant 0 : i32
      %cond3A_209 = arith.cmpi ne, %convert_element_type3A_207, %cond3A_208 : i32
      scf.if %cond3A_209 {
        %mul3A_228 = arith.constant 2 : i32
        %mul3A_229 = arith.muli %mul3A_228, %scan3A_191 : i32
        %add3A_230 = arith.constant 2 : i32
        %add3A_231 = arith.addi %mul3A_229, %add3A_230 : i32
        %mul3A_232 = arith.constant 3968 : i32
        %mul3A_233 = arith.muli %add3A_231, %mul3A_232 : i32
        %add3A_234 = arith.addi %mul3A_34, %mul3A_233 : i32
        %multiple_of3A_235 = tpu.assume_multiple %add3A_234, 128 : i32
        %dma_start3A_236 = tpu.memref_slice %arg2[%mul3A_32, %multiple_of3A_235] : memref<64x1000000xi32, #tpu.memory_space<hbm>> -> memref<8x3968xi32, #tpu.memory_space<hbm>>
        %dma_start3A_237 = tpu.memref_slice %arg2[%mul3A_32, %multiple_of3A_235] : memref<64x1000000xi32, #tpu.memory_space<hbm>> -> memref<8x3968xi32, #tpu.memory_space<hbm>>
        tpu.enqueue_dma source(%dma_start3A_237 : memref<8x3968xi32, #tpu.memory_space<hbm>>) target(%arg5 : memref<8x3968xi32, #tpu.memory_space<vmem>>) target_semaphore(%arg9 : memref<!tpu.dma_semaphore, #tpu.memory_space<semaphore_mem>>)
      } else {
      }
      %dma_wait3A_210 = arith.constant 0 : i32
      %dma_wait3A_211 = arith.constant 0 : i32
      %dma_wait3A_212 = tpu.memref_slice %arg2[%dma_wait3A_210, %dma_wait3A_211] : memref<64x1000000xi32, #tpu.memory_space<hbm>> -> memref<8x3968xi32, #tpu.memory_space<hbm>>
      %dma_wait3A_213 = arith.constant 0 : i32
      %dma_wait3A_214 = arith.constant 0 : i32
      %dma_wait3A_215 = tpu.memref_slice %arg2[%dma_wait3A_213, %dma_wait3A_214] : memref<64x1000000xi32, #tpu.memory_space<hbm>> -> memref<8x3968xi32, #tpu.memory_space<hbm>>
      tpu.wait_dma2 semaphore(%arg10 : memref<!tpu.dma_semaphore, #tpu.memory_space<semaphore_mem>>) src(%dma_wait3A_215 : memref<8x3968xi32, #tpu.memory_space<hbm>>) dst(%arg6 : memref<8x3968xi32, #tpu.memory_space<vmem>>)
      %parallel_loop3A_216 = arith.constant 0 : i32
      %parallel_loop3A_217 = arith.constant 248 : i32
      %parallel_loop3A_218 = arith.constant 1 : i32
      scf.for %parallel_loop3A_228 = %parallel_loop3A_216 to %parallel_loop3A_217 step %parallel_loop3A_218  : i32 {
        %parallel_loop3A_229 = arith.constant 16 : i32
        %parallel_loop3A_230 = arith.muli %parallel_loop3A_228, %parallel_loop3A_229 : i32
        %parallel_loop3A_231 = arith.constant 0 : i32
        %parallel_loop3A_232 = arith.index_cast %parallel_loop3A_231 : i32 to index
        %parallel_loop3A_233 = arith.index_cast %parallel_loop3A_230 : i32 to index
        %parallel_loop3A_234 = tpu.vector_load %arg6[%parallel_loop3A_232, %parallel_loop3A_233] {strides = array<i32>} : memref<8x3968xi32, #tpu.memory_space<vmem>>, vector<16xi32>,
        %parallel_loop3A_235 = arith.constant 16 : i32
        %parallel_loop3A_236 = vector.broadcast %parallel_loop3A_235 : i32 to vector<16xi32>
        %parallel_loop3A_237 = arith.muli %parallel_loop3A_234, %parallel_loop3A_236 : vector<16xi32>
        %parallel_loop3A_238 = arith.addi %parallel_loop3A_237, %add3A_40 : vector<16xi32>
        tpu.vector_store_idx %arg7[%parallel_loop3A_238], %broadcast_in_dim3A_63 {add = true} : memref<32768xi32, #tpu.memory_space<vmem>>[vector<16xi32>], vector<16xi32>,
        %parallel_loop3A_239 = arith.constant 1 : i32
        %parallel_loop3A_240 = arith.index_cast %parallel_loop3A_239 : i32 to index
        %parallel_loop3A_241 = arith.index_cast %parallel_loop3A_230 : i32 to index
        %parallel_loop3A_242 = tpu.vector_load %arg6[%parallel_loop3A_240, %parallel_loop3A_241] {strides = array<i32>} : memref<8x3968xi32, #tpu.memory_space<vmem>>, vector<16xi32>,
        %parallel_loop3A_243 = arith.constant 16 : i32
        %parallel_loop3A_244 = vector.broadcast %parallel_loop3A_243 : i32 to vector<16xi32>
        %parallel_loop3A_245 = arith.muli %parallel_loop3A_242, %parallel_loop3A_244 : vector<16xi32>
        %parallel_loop3A_246 = arith.addi %parallel_loop3A_245, %add3A_43 : vector<16xi32>
        tpu.vector_store_idx %arg7[%parallel_loop3A_246], %broadcast_in_dim3A_63 {add = true} : memref<32768xi32, #tpu.memory_space<vmem>>[vector<16xi32>], vector<16xi32>,
        %parallel_loop3A_247 = arith.constant 2 : i32
        %parallel_loop3A_248 = arith.index_cast %parallel_loop3A_247 : i32 to index
        %parallel_loop3A_249 = arith.index_cast %parallel_loop3A_230 : i32 to index
        %parallel_loop3A_250 = tpu.vector_load %arg6[%parallel_loop3A_248, %parallel_loop3A_249] {strides = array<i32>} : memref<8x3968xi32, #tpu.memory_space<vmem>>, vector<16xi32>,
        %parallel_loop3A_251 = arith.constant 16 : i32
        %parallel_loop3A_252 = vector.broadcast %parallel_loop3A_251 : i32 to vector<16xi32>
        %parallel_loop3A_253 = arith.muli %parallel_loop3A_250, %parallel_loop3A_252 : vector<16xi32>
        %parallel_loop3A_254 = arith.addi %parallel_loop3A_253, %add3A_46 : vector<16xi32>
        tpu.vector_store_idx %arg7[%parallel_loop3A_254], %broadcast_in_dim3A_63 {add = true} : memref<32768xi32, #tpu.memory_space<vmem>>[vector<16xi32>], vector<16xi32>,
        %parallel_loop3A_255 = arith.constant 3 : i32
        %parallel_loop3A_256 = arith.index_cast %parallel_loop3A_255 : i32 to index
        %parallel_loop3A_257 = arith.index_cast %parallel_loop3A_230 : i32 to index
        %parallel_loop3A_258 = tpu.vector_load %arg6[%parallel_loop3A_256, %parallel_loop3A_257] {strides = array<i32>} : memref<8x3968xi32, #tpu.memory_space<vmem>>, vector<16xi32>,
        %parallel_loop3A_259 = arith.constant 16 : i32
        %parallel_loop3A_260 = vector.broadcast %parallel_loop3A_259 : i32 to vector<16xi32>
        %parallel_loop3A_261 = arith.muli %parallel_loop3A_258, %parallel_loop3A_260 : vector<16xi32>
        %parallel_loop3A_262 = arith.addi %parallel_loop3A_261, %add3A_49 : vector<16xi32>
        tpu.vector_store_idx %arg7[%parallel_loop3A_262], %broadcast_in_dim3A_63 {add = true} : memref<32768xi32, #tpu.memory_space<vmem>>[vector<16xi32>], vector<16xi32>,
        %parallel_loop3A_263 = arith.constant 4 : i32
        %parallel_loop3A_264 = arith.index_cast %parallel_loop3A_263 : i32 to index
        %parallel_loop3A_265 = arith.index_cast %parallel_loop3A_230 : i32 to index
        %parallel_loop3A_266 = tpu.vector_load %arg6[%parallel_loop3A_264, %parallel_loop3A_265] {strides = array<i32>} : memref<8x3968xi32, #tpu.memory_space<vmem>>, vector<16xi32>,
        %parallel_loop3A_267 = arith.constant 16 : i32
        %parallel_loop3A_268 = vector.broadcast %parallel_loop3A_267 : i32 to vector<16xi32>
        %parallel_loop3A_269 = arith.muli %parallel_loop3A_266, %parallel_loop3A_268 : vector<16xi32>
        %parallel_loop3A_270 = arith.addi %parallel_loop3A_269, %add3A_52 : vector<16xi32>
        tpu.vector_store_idx %arg7[%parallel_loop3A_270], %broadcast_in_dim3A_63 {add = true} : memref<32768xi32, #tpu.memory_space<vmem>>[vector<16xi32>], vector<16xi32>,
        %parallel_loop3A_271 = arith.constant 5 : i32
        %parallel_loop3A_272 = arith.index_cast %parallel_loop3A_271 : i32 to index
        %parallel_loop3A_273 = arith.index_cast %parallel_loop3A_230 : i32 to index
        %parallel_loop3A_274 = tpu.vector_load %arg6[%parallel_loop3A_272, %parallel_loop3A_273] {strides = array<i32>} : memref<8x3968xi32, #tpu.memory_space<vmem>>, vector<16xi32>,
        %parallel_loop3A_275 = arith.constant 16 : i32
        %parallel_loop3A_276 = vector.broadcast %parallel_loop3A_275 : i32 to vector<16xi32>
        %parallel_loop3A_277 = arith.muli %parallel_loop3A_274, %parallel_loop3A_276 : vector<16xi32>
        %parallel_loop3A_278 = arith.addi %parallel_loop3A_277, %add3A_55 : vector<16xi32>
        tpu.vector_store_idx %arg7[%parallel_loop3A_278], %broadcast_in_dim3A_63 {add = true} : memref<32768xi32, #tpu.memory_space<vmem>>[vector<16xi32>], vector<16xi32>,
        %parallel_loop3A_279 = arith.constant 6 : i32
        %parallel_loop3A_280 = arith.index_cast %parallel_loop3A_279 : i32 to index
        %parallel_loop3A_281 = arith.index_cast %parallel_loop3A_230 : i32 to index
        %parallel_loop3A_282 = tpu.vector_load %arg6[%parallel_loop3A_280, %parallel_loop3A_281] {strides = array<i32>} : memref<8x3968xi32, #tpu.memory_space<vmem>>, vector<16xi32>,
        %parallel_loop3A_283 = arith.constant 16 : i32
        %parallel_loop3A_284 = vector.broadcast %parallel_loop3A_283 : i32 to vector<16xi32>
        %parallel_loop3A_285 = arith.muli %parallel_loop3A_282, %parallel_loop3A_284 : vector<16xi32>
        %parallel_loop3A_286 = arith.addi %parallel_loop3A_285, %add3A_58 : vector<16xi32>
        tpu.vector_store_idx %arg7[%parallel_loop3A_286], %broadcast_in_dim3A_63 {add = true} : memref<32768xi32, #tpu.memory_space<vmem>>[vector<16xi32>], vector<16xi32>,
        %parallel_loop3A_287 = arith.constant 7 : i32
        %parallel_loop3A_288 = arith.index_cast %parallel_loop3A_287 : i32 to index
        %parallel_loop3A_289 = arith.index_cast %parallel_loop3A_230 : i32 to index
        %parallel_loop3A_290 = tpu.vector_load %arg6[%parallel_loop3A_288, %parallel_loop3A_289] {strides = array<i32>} : memref<8x3968xi32, #tpu.memory_space<vmem>>, vector<16xi32>,
        %parallel_loop3A_291 = arith.constant 16 : i32
        %parallel_loop3A_292 = vector.broadcast %parallel_loop3A_291 : i32 to vector<16xi32>
        %parallel_loop3A_293 = arith.muli %parallel_loop3A_290, %parallel_loop3A_292 : vector<16xi32>
        %parallel_loop3A_294 = arith.addi %parallel_loop3A_293, %add3A_61 : vector<16xi32>
        tpu.vector_store_idx %arg7[%parallel_loop3A_294], %broadcast_in_dim3A_63 {add = true} : memref<32768xi32, #tpu.memory_space<vmem>>[vector<16xi32>], vector<16xi32>,
      } {sc.loop_unroll_factor = 8 : i64, sc.parallel_access}
      %mul3A_219 = arith.constant 2 : i32
      %mul3A_220 = arith.muli %mul3A_219, %scan3A_191 : i32
      %add3A_221 = arith.constant 3 : i32
      %add3A_222 = arith.addi %mul3A_220, %add3A_221 : i32
      %lt3A_223 = arith.constant 63 : i32
      %lt3A_224 = arith.cmpi slt, %add3A_222, %lt3A_223 : i32
      %convert_element_type3A_225 = arith.extui %lt3A_224 : i1 to i32
      %cond3A_226 = arith.constant 0 : i32
      %cond3A_227 = arith.cmpi ne, %convert_element_type3A_225, %cond3A_226 : i32
      scf.if %cond3A_227 {
        %mul3A_228 = arith.constant 2 : i32
        %mul3A_229 = arith.muli %mul3A_228, %scan3A_191 : i32
        %add3A_230 = arith.constant 3 : i32
        %add3A_231 = arith.addi %mul3A_229, %add3A_230 : i32
        %mul3A_232 = arith.constant 3968 : i32
        %mul3A_233 = arith.muli %add3A_231, %mul3A_232 : i32
        %add3A_234 = arith.addi %mul3A_34, %mul3A_233 : i32
        %multiple_of3A_235 = tpu.assume_multiple %add3A_234, 128 : i32
        %dma_start3A_236 = tpu.memref_slice %arg2[%mul3A_32, %multiple_of3A_235] : memref<64x1000000xi32, #tpu.memory_space<hbm>> -> memref<8x3968xi32, #tpu.memory_space<hbm>>
        %dma_start3A_237 = tpu.memref_slice %arg2[%mul3A_32, %multiple_of3A_235] : memref<64x1000000xi32, #tpu.memory_space<hbm>> -> memref<8x3968xi32, #tpu.memory_space<hbm>>
        tpu.enqueue_dma source(%dma_start3A_237 : memref<8x3968xi32, #tpu.memory_space<hbm>>) target(%arg6 : memref<8x3968xi32, #tpu.memory_space<vmem>>) target_semaphore(%arg10 : memref<!tpu.dma_semaphore, #tpu.memory_space<semaphore_mem>>)
      } else {
      }
    }
    %scan3A_76 = arith.constant 31 : i32
    %dma_wait3A = arith.constant 0 : i32
    %dma_wait3A_77 = arith.constant 0 : i32
    %dma_wait3A_78 = tpu.memref_slice %arg2[%dma_wait3A, %dma_wait3A_77] : memref<64x1000000xi32, #tpu.memory_space<hbm>> -> memref<8x3968xi32, #tpu.memory_space<hbm>>
    %dma_wait3A_79 = arith.constant 0 : i32
    %dma_wait3A_80 = arith.constant 0 : i32
    %dma_wait3A_81 = tpu.memref_slice %arg2[%dma_wait3A_79, %dma_wait3A_80] : memref<64x1000000xi32, #tpu.memory_space<hbm>> -> memref<8x3968xi32, #tpu.memory_space<hbm>>
    tpu.wait_dma2 semaphore(%arg9 : memref<!tpu.dma_semaphore, #tpu.memory_space<semaphore_mem>>) src(%dma_wait3A_81 : memref<8x3968xi32, #tpu.memory_space<hbm>>) dst(%arg5 : memref<8x3968xi32, #tpu.memory_space<vmem>>)
    %parallel_loop3A_82 = arith.constant 0 : i32
    %parallel_loop3A_83 = arith.constant 248 : i32
    %parallel_loop3A_84 = arith.constant 1 : i32
    scf.for %parallel_loop3A_191 = %parallel_loop3A_82 to %parallel_loop3A_83 step %parallel_loop3A_84  : i32 {
      %parallel_loop3A_192 = arith.constant 16 : i32
      %parallel_loop3A_193 = arith.muli %parallel_loop3A_191, %parallel_loop3A_192 : i32
      %parallel_loop3A_194 = arith.constant 0 : i32
      %parallel_loop3A_195 = arith.index_cast %parallel_loop3A_194 : i32 to index
      %parallel_loop3A_196 = arith.index_cast %parallel_loop3A_193 : i32 to index
      %parallel_loop3A_197 = tpu.vector_load %arg5[%parallel_loop3A_195, %parallel_loop3A_196] {strides = array<i32>} : memref<8x3968xi32, #tpu.memory_space<vmem>>, vector<16xi32>,
      %parallel_loop3A_198 = arith.constant 16 : i32
      %parallel_loop3A_199 = vector.broadcast %parallel_loop3A_198 : i32 to vector<16xi32>
      %parallel_loop3A_200 = arith.muli %parallel_loop3A_197, %parallel_loop3A_199 : vector<16xi32>
      %parallel_loop3A_201 = arith.addi %parallel_loop3A_200, %add3A_40 : vector<16xi32>
      tpu.vector_store_idx %arg7[%parallel_loop3A_201], %broadcast_in_dim3A_63 {add = true} : memref<32768xi32, #tpu.memory_space<vmem>>[vector<16xi32>], vector<16xi32>,
      %parallel_loop3A_202 = arith.constant 1 : i32
      %parallel_loop3A_203 = arith.index_cast %parallel_loop3A_202 : i32 to index
      %parallel_loop3A_204 = arith.index_cast %parallel_loop3A_193 : i32 to index
      %parallel_loop3A_205 = tpu.vector_load %arg5[%parallel_loop3A_203, %parallel_loop3A_204] {strides = array<i32>} : memref<8x3968xi32, #tpu.memory_space<vmem>>, vector<16xi32>,
      %parallel_loop3A_206 = arith.constant 16 : i32
      %parallel_loop3A_207 = vector.broadcast %parallel_loop3A_206 : i32 to vector<16xi32>
      %parallel_loop3A_208 = arith.muli %parallel_loop3A_205, %parallel_loop3A_207 : vector<16xi32>
      %parallel_loop3A_209 = arith.addi %parallel_loop3A_208, %add3A_43 : vector<16xi32>
      tpu.vector_store_idx %arg7[%parallel_loop3A_209], %broadcast_in_dim3A_63 {add = true} : memref<32768xi32, #tpu.memory_space<vmem>>[vector<16xi32>], vector<16xi32>,
      %parallel_loop3A_210 = arith.constant 2 : i32
      %parallel_loop3A_211 = arith.index_cast %parallel_loop3A_210 : i32 to index
      %parallel_loop3A_212 = arith.index_cast %parallel_loop3A_193 : i32 to index
      %parallel_loop3A_213 = tpu.vector_load %arg5[%parallel_loop3A_211, %parallel_loop3A_212] {strides = array<i32>} : memref<8x3968xi32, #tpu.memory_space<vmem>>, vector<16xi32>,
      %parallel_loop3A_214 = arith.constant 16 : i32
      %parallel_loop3A_215 = vector.broadcast %parallel_loop3A_214 : i32 to vector<16xi32>
      %parallel_loop3A_216 = arith.muli %parallel_loop3A_213, %parallel_loop3A_215 : vector<16xi32>
      %parallel_loop3A_217 = arith.addi %parallel_loop3A_216, %add3A_46 : vector<16xi32>
      tpu.vector_store_idx %arg7[%parallel_loop3A_217], %broadcast_in_dim3A_63 {add = true} : memref<32768xi32, #tpu.memory_space<vmem>>[vector<16xi32>], vector<16xi32>,
      %parallel_loop3A_218 = arith.constant 3 : i32
      %parallel_loop3A_219 = arith.index_cast %parallel_loop3A_218 : i32 to index
      %parallel_loop3A_220 = arith.index_cast %parallel_loop3A_193 : i32 to index
      %parallel_loop3A_221 = tpu.vector_load %arg5[%parallel_loop3A_219, %parallel_loop3A_220] {strides = array<i32>} : memref<8x3968xi32, #tpu.memory_space<vmem>>, vector<16xi32>,
      %parallel_loop3A_222 = arith.constant 16 : i32
      %parallel_loop3A_223 = vector.broadcast %parallel_loop3A_222 : i32 to vector<16xi32>
      %parallel_loop3A_224 = arith.muli %parallel_loop3A_221, %parallel_loop3A_223 : vector<16xi32>
      %parallel_loop3A_225 = arith.addi %parallel_loop3A_224, %add3A_49 : vector<16xi32>
      tpu.vector_store_idx %arg7[%parallel_loop3A_225], %broadcast_in_dim3A_63 {add = true} : memref<32768xi32, #tpu.memory_space<vmem>>[vector<16xi32>], vector<16xi32>,
      %parallel_loop3A_226 = arith.constant 4 : i32
      %parallel_loop3A_227 = arith.index_cast %parallel_loop3A_226 : i32 to index
      %parallel_loop3A_228 = arith.index_cast %parallel_loop3A_193 : i32 to index
      %parallel_loop3A_229 = tpu.vector_load %arg5[%parallel_loop3A_227, %parallel_loop3A_228] {strides = array<i32>} : memref<8x3968xi32, #tpu.memory_space<vmem>>, vector<16xi32>,
      %parallel_loop3A_230 = arith.constant 16 : i32
      %parallel_loop3A_231 = vector.broadcast %parallel_loop3A_230 : i32 to vector<16xi32>
      %parallel_loop3A_232 = arith.muli %parallel_loop3A_229, %parallel_loop3A_231 : vector<16xi32>
      %parallel_loop3A_233 = arith.addi %parallel_loop3A_232, %add3A_52 : vector<16xi32>
      tpu.vector_store_idx %arg7[%parallel_loop3A_233], %broadcast_in_dim3A_63 {add = true} : memref<32768xi32, #tpu.memory_space<vmem>>[vector<16xi32>], vector<16xi32>,
      %parallel_loop3A_234 = arith.constant 5 : i32
      %parallel_loop3A_235 = arith.index_cast %parallel_loop3A_234 : i32 to index
      %parallel_loop3A_236 = arith.index_cast %parallel_loop3A_193 : i32 to index
      %parallel_loop3A_237 = tpu.vector_load %arg5[%parallel_loop3A_235, %parallel_loop3A_236] {strides = array<i32>} : memref<8x3968xi32, #tpu.memory_space<vmem>>, vector<16xi32>,
      %parallel_loop3A_238 = arith.constant 16 : i32
      %parallel_loop3A_239 = vector.broadcast %parallel_loop3A_238 : i32 to vector<16xi32>
      %parallel_loop3A_240 = arith.muli %parallel_loop3A_237, %parallel_loop3A_239 : vector<16xi32>
      %parallel_loop3A_241 = arith.addi %parallel_loop3A_240, %add3A_55 : vector<16xi32>
      tpu.vector_store_idx %arg7[%parallel_loop3A_241], %broadcast_in_dim3A_63 {add = true} : memref<32768xi32, #tpu.memory_space<vmem>>[vector<16xi32>], vector<16xi32>,
      %parallel_loop3A_242 = arith.constant 6 : i32
      %parallel_loop3A_243 = arith.index_cast %parallel_loop3A_242 : i32 to index
      %parallel_loop3A_244 = arith.index_cast %parallel_loop3A_193 : i32 to index
      %parallel_loop3A_245 = tpu.vector_load %arg5[%parallel_loop3A_243, %parallel_loop3A_244] {strides = array<i32>} : memref<8x3968xi32, #tpu.memory_space<vmem>>, vector<16xi32>,
      %parallel_loop3A_246 = arith.constant 16 : i32
      %parallel_loop3A_247 = vector.broadcast %parallel_loop3A_246 : i32 to vector<16xi32>
      %parallel_loop3A_248 = arith.muli %parallel_loop3A_245, %parallel_loop3A_247 : vector<16xi32>
      %parallel_loop3A_249 = arith.addi %parallel_loop3A_248, %add3A_58 : vector<16xi32>
      tpu.vector_store_idx %arg7[%parallel_loop3A_249], %broadcast_in_dim3A_63 {add = true} : memref<32768xi32, #tpu.memory_space<vmem>>[vector<16xi32>], vector<16xi32>,
      %parallel_loop3A_250 = arith.constant 7 : i32
      %parallel_loop3A_251 = arith.index_cast %parallel_loop3A_250 : i32 to index
      %parallel_loop3A_252 = arith.index_cast %parallel_loop3A_193 : i32 to index
      %parallel_loop3A_253 = tpu.vector_load %arg5[%parallel_loop3A_251, %parallel_loop3A_252] {strides = array<i32>} : memref<8x3968xi32, #tpu.memory_space<vmem>>, vector<16xi32>,
      %parallel_loop3A_254 = arith.constant 16 : i32
      %parallel_loop3A_255 = vector.broadcast %parallel_loop3A_254 : i32 to vector<16xi32>
      %parallel_loop3A_256 = arith.muli %parallel_loop3A_253, %parallel_loop3A_255 : vector<16xi32>
      %parallel_loop3A_257 = arith.addi %parallel_loop3A_256, %add3A_61 : vector<16xi32>
      tpu.vector_store_idx %arg7[%parallel_loop3A_257], %broadcast_in_dim3A_63 {add = true} : memref<32768xi32, #tpu.memory_space<vmem>>[vector<16xi32>], vector<16xi32>,
    } {sc.loop_unroll_factor = 8 : i64, sc.parallel_access}
    %broadcast_in_dim3A_85 = arith.constant -4 : i32
    %broadcast_in_dim3A_86 = vector.broadcast %broadcast_in_dim3A_85 : i32 to vector<16xi32>
    %eq3A_87 = arith.constant 3 : i32
    %eq3A_88 = arith.cmpi eq, %select_n3A, %eq3A_87 : i32
    %convert_element_type3A = arith.extui %eq3A_88 : i1 to i32
    %cond3A = arith.constant 0 : i32
    %cond3A_89 = arith.cmpi ne, %convert_element_type3A, %cond3A : i32
    scf.if %cond3A_89 {
      "tpu.region"() ({
        %run_scoped3A = tpu.sem_alloc : memref<!tpu.dma_semaphore, #tpu.memory_space<semaphore_mem>>
        %dma_start3A_194 = arith.constant 0 : i32
        %dma_start3A_195 = arith.constant 0 : i32
        %dma_start3A_196 = tpu.memref_slice %arg5[%dma_start3A_194, %dma_start3A_195] : memref<8x3968xi32, #tpu.memory_space<vmem>> -> memref<8x128xi32, #tpu.memory_space<vmem>>
        %dma_start3A_197 = arith.constant 0 : i32
        %dma_start3A_198 = tpu.memref_slice %arg3[%mul3A_32, %dma_start3A_197] : memref<64x128xi32, #tpu.memory_space<hbm>> -> memref<8x128xi32, #tpu.memory_space<hbm>>
        %dma_start3A_199 = arith.constant 0 : i32
        %dma_start3A_200 = arith.constant 0 : i32
        %dma_start3A_201 = tpu.memref_slice %arg5[%dma_start3A_199, %dma_start3A_200] : memref<8x3968xi32, #tpu.memory_space<vmem>> -> memref<8x128xi32, #tpu.memory_space<vmem>>
        %dma_start3A_202 = arith.constant 0 : i32
        %dma_start3A_203 = tpu.memref_slice %arg3[%mul3A_32, %dma_start3A_202] : memref<64x128xi32, #tpu.memory_space<hbm>> -> memref<8x128xi32, #tpu.memory_space<hbm>>
        tpu.enqueue_dma source(%dma_start3A_203 : memref<8x128xi32, #tpu.memory_space<hbm>>) target(%dma_start3A_201 : memref<8x128xi32, #tpu.memory_space<vmem>>) target_semaphore(%run_scoped3A : memref<!tpu.dma_semaphore, #tpu.memory_space<semaphore_mem>>)
        %dma_wait3A_204 = arith.constant 0 : i32
        %dma_wait3A_205 = arith.constant 0 : i32
        %dma_wait3A_206 = tpu.memref_slice %arg5[%dma_wait3A_204, %dma_wait3A_205] : memref<8x3968xi32, #tpu.memory_space<vmem>> -> memref<8x128xi32, #tpu.memory_space<vmem>>
        %dma_wait3A_207 = arith.constant 0 : i32
        %dma_wait3A_208 = tpu.memref_slice %arg3[%mul3A_32, %dma_wait3A_207] : memref<64x128xi32, #tpu.memory_space<hbm>> -> memref<8x128xi32, #tpu.memory_space<hbm>>
        %dma_wait3A_209 = arith.constant 0 : i32
        %dma_wait3A_210 = arith.constant 0 : i32
        %dma_wait3A_211 = tpu.memref_slice %arg5[%dma_wait3A_209, %dma_wait3A_210] : memref<8x3968xi32, #tpu.memory_space<vmem>> -> memref<8x128xi32, #tpu.memory_space<vmem>>
        %dma_wait3A_212 = arith.constant 0 : i32
        %dma_wait3A_213 = tpu.memref_slice %arg3[%mul3A_32, %dma_wait3A_212] : memref<64x128xi32, #tpu.memory_space<hbm>> -> memref<8x128xi32, #tpu.memory_space<hbm>>
        tpu.wait_dma2 semaphore(%run_scoped3A : memref<!tpu.dma_semaphore, #tpu.memory_space<semaphore_mem>>) src(%dma_wait3A_213 : memref<8x128xi32, #tpu.memory_space<hbm>>) dst(%dma_wait3A_211 : memref<8x128xi32, #tpu.memory_space<vmem>>)
        tpu.yield
      }) : () -> ()
      %parallel_loop3A_191 = arith.constant 0 : i32
      %parallel_loop3A_192 = arith.constant 8 : i32
      %parallel_loop3A_193 = arith.constant 1 : i32
      scf.for %parallel_loop3A_194 = %parallel_loop3A_191 to %parallel_loop3A_192 step %parallel_loop3A_193  : i32 {
        %parallel_loop3A_195 = arith.constant 16 : i32
        %parallel_loop3A_196 = arith.muli %parallel_loop3A_194, %parallel_loop3A_195 : i32
        %parallel_loop3A_197 = arith.constant 0 : i32
        %parallel_loop3A_198 = arith.index_cast %parallel_loop3A_197 : i32 to index
        %parallel_loop3A_199 = arith.index_cast %parallel_loop3A_196 : i32 to index
        %parallel_loop3A_200 = tpu.vector_load %arg5[%parallel_loop3A_198, %parallel_loop3A_199] {strides = array<i32>} : memref<8x3968xi32, #tpu.memory_space<vmem>>, vector<16xi32>,
        %parallel_loop3A_201 = arith.constant 16 : i32
        %parallel_loop3A_202 = vector.broadcast %parallel_loop3A_201 : i32 to vector<16xi32>
        %parallel_loop3A_203 = arith.muli %parallel_loop3A_200, %parallel_loop3A_202 : vector<16xi32>
        %parallel_loop3A_204 = arith.addi %parallel_loop3A_203, %add3A_40 : vector<16xi32>
        tpu.vector_store_idx %arg7[%parallel_loop3A_204], %broadcast_in_dim3A_63 {add = true} : memref<32768xi32, #tpu.memory_space<vmem>>[vector<16xi32>], vector<16xi32>,
        %parallel_loop3A_205 = arith.constant 1 : i32
        %parallel_loop3A_206 = arith.index_cast %parallel_loop3A_205 : i32 to index
        %parallel_loop3A_207 = arith.index_cast %parallel_loop3A_196 : i32 to index
        %parallel_loop3A_208 = tpu.vector_load %arg5[%parallel_loop3A_206, %parallel_loop3A_207] {strides = array<i32>} : memref<8x3968xi32, #tpu.memory_space<vmem>>, vector<16xi32>,
        %parallel_loop3A_209 = arith.constant 16 : i32
        %parallel_loop3A_210 = vector.broadcast %parallel_loop3A_209 : i32 to vector<16xi32>
        %parallel_loop3A_211 = arith.muli %parallel_loop3A_208, %parallel_loop3A_210 : vector<16xi32>
        %parallel_loop3A_212 = arith.addi %parallel_loop3A_211, %add3A_43 : vector<16xi32>
        tpu.vector_store_idx %arg7[%parallel_loop3A_212], %broadcast_in_dim3A_63 {add = true} : memref<32768xi32, #tpu.memory_space<vmem>>[vector<16xi32>], vector<16xi32>,
        %parallel_loop3A_213 = arith.constant 2 : i32
        %parallel_loop3A_214 = arith.index_cast %parallel_loop3A_213 : i32 to index
        %parallel_loop3A_215 = arith.index_cast %parallel_loop3A_196 : i32 to index
        %parallel_loop3A_216 = tpu.vector_load %arg5[%parallel_loop3A_214, %parallel_loop3A_215] {strides = array<i32>} : memref<8x3968xi32, #tpu.memory_space<vmem>>, vector<16xi32>,
        %parallel_loop3A_217 = arith.constant 16 : i32
        %parallel_loop3A_218 = vector.broadcast %parallel_loop3A_217 : i32 to vector<16xi32>
        %parallel_loop3A_219 = arith.muli %parallel_loop3A_216, %parallel_loop3A_218 : vector<16xi32>
        %parallel_loop3A_220 = arith.addi %parallel_loop3A_219, %add3A_46 : vector<16xi32>
        tpu.vector_store_idx %arg7[%parallel_loop3A_220], %broadcast_in_dim3A_63 {add = true} : memref<32768xi32, #tpu.memory_space<vmem>>[vector<16xi32>], vector<16xi32>,
        %parallel_loop3A_221 = arith.constant 3 : i32
        %parallel_loop3A_222 = arith.index_cast %parallel_loop3A_221 : i32 to index
        %parallel_loop3A_223 = arith.index_cast %parallel_loop3A_196 : i32 to index
        %parallel_loop3A_224 = tpu.vector_load %arg5[%parallel_loop3A_222, %parallel_loop3A_223] {strides = array<i32>} : memref<8x3968xi32, #tpu.memory_space<vmem>>, vector<16xi32>,
        %parallel_loop3A_225 = arith.constant 16 : i32
        %parallel_loop3A_226 = vector.broadcast %parallel_loop3A_225 : i32 to vector<16xi32>
        %parallel_loop3A_227 = arith.muli %parallel_loop3A_224, %parallel_loop3A_226 : vector<16xi32>
        %parallel_loop3A_228 = arith.addi %parallel_loop3A_227, %add3A_49 : vector<16xi32>
        tpu.vector_store_idx %arg7[%parallel_loop3A_228], %broadcast_in_dim3A_63 {add = true} : memref<32768xi32, #tpu.memory_space<vmem>>[vector<16xi32>], vector<16xi32>,
        %parallel_loop3A_229 = arith.constant 4 : i32
        %parallel_loop3A_230 = arith.index_cast %parallel_loop3A_229 : i32 to index
        %parallel_loop3A_231 = arith.index_cast %parallel_loop3A_196 : i32 to index
        %parallel_loop3A_232 = tpu.vector_load %arg5[%parallel_loop3A_230, %parallel_loop3A_231] {strides = array<i32>} : memref<8x3968xi32, #tpu.memory_space<vmem>>, vector<16xi32>,
        %parallel_loop3A_233 = arith.constant 16 : i32
        %parallel_loop3A_234 = vector.broadcast %parallel_loop3A_233 : i32 to vector<16xi32>
        %parallel_loop3A_235 = arith.muli %parallel_loop3A_232, %parallel_loop3A_234 : vector<16xi32>
        %parallel_loop3A_236 = arith.addi %parallel_loop3A_235, %add3A_52 : vector<16xi32>
        tpu.vector_store_idx %arg7[%parallel_loop3A_236], %broadcast_in_dim3A_63 {add = true} : memref<32768xi32, #tpu.memory_space<vmem>>[vector<16xi32>], vector<16xi32>,
        %parallel_loop3A_237 = arith.constant 5 : i32
        %parallel_loop3A_238 = arith.index_cast %parallel_loop3A_237 : i32 to index
        %parallel_loop3A_239 = arith.index_cast %parallel_loop3A_196 : i32 to index
        %parallel_loop3A_240 = tpu.vector_load %arg5[%parallel_loop3A_238, %parallel_loop3A_239] {strides = array<i32>} : memref<8x3968xi32, #tpu.memory_space<vmem>>, vector<16xi32>,
        %parallel_loop3A_241 = arith.constant 16 : i32
        %parallel_loop3A_242 = vector.broadcast %parallel_loop3A_241 : i32 to vector<16xi32>
        %parallel_loop3A_243 = arith.muli %parallel_loop3A_240, %parallel_loop3A_242 : vector<16xi32>
        %parallel_loop3A_244 = arith.addi %parallel_loop3A_243, %add3A_55 : vector<16xi32>
        tpu.vector_store_idx %arg7[%parallel_loop3A_244], %broadcast_in_dim3A_63 {add = true} : memref<32768xi32, #tpu.memory_space<vmem>>[vector<16xi32>], vector<16xi32>,
        %parallel_loop3A_245 = arith.constant 6 : i32
        %parallel_loop3A_246 = arith.index_cast %parallel_loop3A_245 : i32 to index
        %parallel_loop3A_247 = arith.index_cast %parallel_loop3A_196 : i32 to index
        %parallel_loop3A_248 = tpu.vector_load %arg5[%parallel_loop3A_246, %parallel_loop3A_247] {strides = array<i32>} : memref<8x3968xi32, #tpu.memory_space<vmem>>, vector<16xi32>,
        %parallel_loop3A_249 = arith.constant 16 : i32
        %parallel_loop3A_250 = vector.broadcast %parallel_loop3A_249 : i32 to vector<16xi32>
        %parallel_loop3A_251 = arith.muli %parallel_loop3A_248, %parallel_loop3A_250 : vector<16xi32>
        %parallel_loop3A_252 = arith.addi %parallel_loop3A_251, %add3A_58 : vector<16xi32>
        tpu.vector_store_idx %arg7[%parallel_loop3A_252], %broadcast_in_dim3A_63 {add = true} : memref<32768xi32, #tpu.memory_space<vmem>>[vector<16xi32>], vector<16xi32>,
        %parallel_loop3A_253 = arith.constant 7 : i32
        %parallel_loop3A_254 = arith.index_cast %parallel_loop3A_253 : i32 to index
        %parallel_loop3A_255 = arith.index_cast %parallel_loop3A_196 : i32 to index
        %parallel_loop3A_256 = tpu.vector_load %arg5[%parallel_loop3A_254, %parallel_loop3A_255] {strides = array<i32>} : memref<8x3968xi32, #tpu.memory_space<vmem>>, vector<16xi32>,
        %parallel_loop3A_257 = arith.constant 16 : i32
        %parallel_loop3A_258 = vector.broadcast %parallel_loop3A_257 : i32 to vector<16xi32>
        %parallel_loop3A_259 = arith.muli %parallel_loop3A_256, %parallel_loop3A_258 : vector<16xi32>
        %parallel_loop3A_260 = arith.addi %parallel_loop3A_259, %add3A_61 : vector<16xi32>
        tpu.vector_store_idx %arg7[%parallel_loop3A_260], %broadcast_in_dim3A_63 {add = true} : memref<32768xi32, #tpu.memory_space<vmem>>[vector<16xi32>], vector<16xi32>,
      } {sc.loop_unroll_factor = 8 : i64, sc.parallel_access}
      tpu.vector_store_idx %arg7[%add3A_40], %broadcast_in_dim3A_86 {add = true} : memref<32768xi32, #tpu.memory_space<vmem>>[vector<16xi32>], vector<16xi32>,
      tpu.vector_store_idx %arg7[%add3A_43], %broadcast_in_dim3A_86 {add = true} : memref<32768xi32, #tpu.memory_space<vmem>>[vector<16xi32>], vector<16xi32>,
      tpu.vector_store_idx %arg7[%add3A_46], %broadcast_in_dim3A_86 {add = true} : memref<32768xi32, #tpu.memory_space<vmem>>[vector<16xi32>], vector<16xi32>,
      tpu.vector_store_idx %arg7[%add3A_49], %broadcast_in_dim3A_86 {add = true} : memref<32768xi32, #tpu.memory_space<vmem>>[vector<16xi32>], vector<16xi32>,
      tpu.vector_store_idx %arg7[%add3A_52], %broadcast_in_dim3A_86 {add = true} : memref<32768xi32, #tpu.memory_space<vmem>>[vector<16xi32>], vector<16xi32>,
      tpu.vector_store_idx %arg7[%add3A_55], %broadcast_in_dim3A_86 {add = true} : memref<32768xi32, #tpu.memory_space<vmem>>[vector<16xi32>], vector<16xi32>,
      tpu.vector_store_idx %arg7[%add3A_58], %broadcast_in_dim3A_86 {add = true} : memref<32768xi32, #tpu.memory_space<vmem>>[vector<16xi32>], vector<16xi32>,
      tpu.vector_store_idx %arg7[%add3A_61], %broadcast_in_dim3A_86 {add = true} : memref<32768xi32, #tpu.memory_space<vmem>>[vector<16xi32>], vector<16xi32>,
    } else {
    }
    %mul3A_90 = arith.constant 16 : i32
    %mul3A_91 = vector.broadcast %mul3A_90 : i32 to vector<16xi32>
    %mul3A_92 = arith.muli %iota3A, %mul3A_91 : vector<16xi32>
    %add3A_93 = arith.constant 0 : i32
    %add3A_94 = vector.broadcast %add3A_93 : i32 to vector<16xi32>
    %add3A_95 = arith.addi %mul3A_92, %add3A_94 : vector<16xi32>
    %mul3A_96 = arith.constant 16 : i32
    %mul3A_97 = vector.broadcast %mul3A_96 : i32 to vector<16xi32>
    %mul3A_98 = arith.muli %iota3A, %mul3A_97 : vector<16xi32>
    %add3A_99 = arith.constant 1 : i32
    %add3A_100 = vector.broadcast %add3A_99 : i32 to vector<16xi32>
    %add3A_101 = arith.addi %mul3A_98, %add3A_100 : vector<16xi32>
    %mul3A_102 = arith.constant 16 : i32
    %mul3A_103 = vector.broadcast %mul3A_102 : i32 to vector<16xi32>
    %mul3A_104 = arith.muli %iota3A, %mul3A_103 : vector<16xi32>
    %add3A_105 = arith.constant 2 : i32
    %add3A_106 = vector.broadcast %add3A_105 : i32 to vector<16xi32>
    %add3A_107 = arith.addi %mul3A_104, %add3A_106 : vector<16xi32>
    %mul3A_108 = arith.constant 16 : i32
    %mul3A_109 = vector.broadcast %mul3A_108 : i32 to vector<16xi32>
    %mul3A_110 = arith.muli %iota3A, %mul3A_109 : vector<16xi32>
    %add3A_111 = arith.constant 3 : i32
    %add3A_112 = vector.broadcast %add3A_111 : i32 to vector<16xi32>
    %add3A_113 = arith.addi %mul3A_110, %add3A_112 : vector<16xi32>
    %mul3A_114 = arith.constant 16 : i32
    %mul3A_115 = vector.broadcast %mul3A_114 : i32 to vector<16xi32>
    %mul3A_116 = arith.muli %iota3A, %mul3A_115 : vector<16xi32>
    %add3A_117 = arith.constant 4 : i32
    %add3A_118 = vector.broadcast %add3A_117 : i32 to vector<16xi32>
    %add3A_119 = arith.addi %mul3A_116, %add3A_118 : vector<16xi32>
    %mul3A_120 = arith.constant 16 : i32
    %mul3A_121 = vector.broadcast %mul3A_120 : i32 to vector<16xi32>
    %mul3A_122 = arith.muli %iota3A, %mul3A_121 : vector<16xi32>
    %add3A_123 = arith.constant 5 : i32
    %add3A_124 = vector.broadcast %add3A_123 : i32 to vector<16xi32>
    %add3A_125 = arith.addi %mul3A_122, %add3A_124 : vector<16xi32>
    %mul3A_126 = arith.constant 16 : i32
    %mul3A_127 = vector.broadcast %mul3A_126 : i32 to vector<16xi32>
    %mul3A_128 = arith.muli %iota3A, %mul3A_127 : vector<16xi32>
    %add3A_129 = arith.constant 6 : i32
    %add3A_130 = vector.broadcast %add3A_129 : i32 to vector<16xi32>
    %add3A_131 = arith.addi %mul3A_128, %add3A_130 : vector<16xi32>
    %mul3A_132 = arith.constant 16 : i32
    %mul3A_133 = vector.broadcast %mul3A_132 : i32 to vector<16xi32>
    %mul3A_134 = arith.muli %iota3A, %mul3A_133 : vector<16xi32>
    %add3A_135 = arith.constant 7 : i32
    %add3A_136 = vector.broadcast %add3A_135 : i32 to vector<16xi32>
    %add3A_137 = arith.addi %mul3A_134, %add3A_136 : vector<16xi32>
    %mul3A_138 = arith.constant 16 : i32
    %mul3A_139 = vector.broadcast %mul3A_138 : i32 to vector<16xi32>
    %mul3A_140 = arith.muli %iota3A, %mul3A_139 : vector<16xi32>
    %add3A_141 = arith.constant 8 : i32
    %add3A_142 = vector.broadcast %add3A_141 : i32 to vector<16xi32>
    %add3A_143 = arith.addi %mul3A_140, %add3A_142 : vector<16xi32>
    %mul3A_144 = arith.constant 16 : i32
    %mul3A_145 = vector.broadcast %mul3A_144 : i32 to vector<16xi32>
    %mul3A_146 = arith.muli %iota3A, %mul3A_145 : vector<16xi32>
    %add3A_147 = arith.constant 9 : i32
    %add3A_148 = vector.broadcast %add3A_147 : i32 to vector<16xi32>
    %add3A_149 = arith.addi %mul3A_146, %add3A_148 : vector<16xi32>
    %mul3A_150 = arith.constant 16 : i32
    %mul3A_151 = vector.broadcast %mul3A_150 : i32 to vector<16xi32>
    %mul3A_152 = arith.muli %iota3A, %mul3A_151 : vector<16xi32>
    %add3A_153 = arith.constant 10 : i32
    %add3A_154 = vector.broadcast %add3A_153 : i32 to vector<16xi32>
    %add3A_155 = arith.addi %mul3A_152, %add3A_154 : vector<16xi32>
    %mul3A_156 = arith.constant 16 : i32
    %mul3A_157 = vector.broadcast %mul3A_156 : i32 to vector<16xi32>
    %mul3A_158 = arith.muli %iota3A, %mul3A_157 : vector<16xi32>
    %add3A_159 = arith.constant 11 : i32
    %add3A_160 = vector.broadcast %add3A_159 : i32 to vector<16xi32>
    %add3A_161 = arith.addi %mul3A_158, %add3A_160 : vector<16xi32>
    %mul3A_162 = arith.constant 16 : i32
    %mul3A_163 = vector.broadcast %mul3A_162 : i32 to vector<16xi32>
    %mul3A_164 = arith.muli %iota3A, %mul3A_163 : vector<16xi32>
    %add3A_165 = arith.constant 12 : i32
    %add3A_166 = vector.broadcast %add3A_165 : i32 to vector<16xi32>
    %add3A_167 = arith.addi %mul3A_164, %add3A_166 : vector<16xi32>
    %mul3A_168 = arith.constant 16 : i32
    %mul3A_169 = vector.broadcast %mul3A_168 : i32 to vector<16xi32>
    %mul3A_170 = arith.muli %iota3A, %mul3A_169 : vector<16xi32>
    %add3A_171 = arith.constant 13 : i32
    %add3A_172 = vector.broadcast %add3A_171 : i32 to vector<16xi32>
    %add3A_173 = arith.addi %mul3A_170, %add3A_172 : vector<16xi32>
    %mul3A_174 = arith.constant 16 : i32
    %mul3A_175 = vector.broadcast %mul3A_174 : i32 to vector<16xi32>
    %mul3A_176 = arith.muli %iota3A, %mul3A_175 : vector<16xi32>
    %add3A_177 = arith.constant 14 : i32
    %add3A_178 = vector.broadcast %add3A_177 : i32 to vector<16xi32>
    %add3A_179 = arith.addi %mul3A_176, %add3A_178 : vector<16xi32>
    %mul3A_180 = arith.constant 16 : i32
    %mul3A_181 = vector.broadcast %mul3A_180 : i32 to vector<16xi32>
    %mul3A_182 = arith.muli %iota3A, %mul3A_181 : vector<16xi32>
    %add3A_183 = arith.constant 15 : i32
    %add3A_184 = vector.broadcast %add3A_183 : i32 to vector<16xi32>
    %add3A_185 = arith.addi %mul3A_182, %add3A_184 : vector<16xi32>
    %parallel_loop3A_186 = arith.constant 0 : i32
    %parallel_loop3A_187 = arith.constant 128 : i32
    %parallel_loop3A_188 = arith.constant 1 : i32
    scf.for %parallel_loop3A_191 = %parallel_loop3A_186 to %parallel_loop3A_187 step %parallel_loop3A_188  : i32 {
      %parallel_loop3A_192 = arith.constant 16 : i32
      %parallel_loop3A_193 = arith.muli %parallel_loop3A_191, %parallel_loop3A_192 : i32
      %parallel_loop3A_194 = arith.constant 16 : i32
      %parallel_loop3A_195 = arith.muli %parallel_loop3A_193, %parallel_loop3A_194 : i32
      %parallel_loop3A_196 = vector.broadcast %parallel_loop3A_195 : i32 to vector<16xi32>
      %parallel_loop3A_197 = arith.addi %add3A_95, %parallel_loop3A_196 : vector<16xi32>
      %parallel_loop3A_198 = tpu.vector_load_idx %arg7[%parallel_loop3A_197] : memref<32768xi32, #tpu.memory_space<vmem>>[vector<16xi32>], vector<16xi32>,
      %parallel_loop3A_199 = vector.broadcast %parallel_loop3A_195 : i32 to vector<16xi32>
      %parallel_loop3A_200 = arith.addi %add3A_101, %parallel_loop3A_199 : vector<16xi32>
      %parallel_loop3A_201 = tpu.vector_load_idx %arg7[%parallel_loop3A_200] : memref<32768xi32, #tpu.memory_space<vmem>>[vector<16xi32>], vector<16xi32>,
      %parallel_loop3A_202 = arith.addi %parallel_loop3A_198, %parallel_loop3A_201 : vector<16xi32>
      %parallel_loop3A_203 = vector.broadcast %parallel_loop3A_195 : i32 to vector<16xi32>
      %parallel_loop3A_204 = arith.addi %add3A_107, %parallel_loop3A_203 : vector<16xi32>
      %parallel_loop3A_205 = tpu.vector_load_idx %arg7[%parallel_loop3A_204] : memref<32768xi32, #tpu.memory_space<vmem>>[vector<16xi32>], vector<16xi32>,
      %parallel_loop3A_206 = arith.addi %parallel_loop3A_202, %parallel_loop3A_205 : vector<16xi32>
      %parallel_loop3A_207 = vector.broadcast %parallel_loop3A_195 : i32 to vector<16xi32>
      %parallel_loop3A_208 = arith.addi %add3A_113, %parallel_loop3A_207 : vector<16xi32>
      %parallel_loop3A_209 = tpu.vector_load_idx %arg7[%parallel_loop3A_208] : memref<32768xi32, #tpu.memory_space<vmem>>[vector<16xi32>], vector<16xi32>,
      %parallel_loop3A_210 = arith.addi %parallel_loop3A_206, %parallel_loop3A_209 : vector<16xi32>
      %parallel_loop3A_211 = vector.broadcast %parallel_loop3A_195 : i32 to vector<16xi32>
      %parallel_loop3A_212 = arith.addi %add3A_119, %parallel_loop3A_211 : vector<16xi32>
      %parallel_loop3A_213 = tpu.vector_load_idx %arg7[%parallel_loop3A_212] : memref<32768xi32, #tpu.memory_space<vmem>>[vector<16xi32>], vector<16xi32>,
      %parallel_loop3A_214 = arith.addi %parallel_loop3A_210, %parallel_loop3A_213 : vector<16xi32>
      %parallel_loop3A_215 = vector.broadcast %parallel_loop3A_195 : i32 to vector<16xi32>
      %parallel_loop3A_216 = arith.addi %add3A_125, %parallel_loop3A_215 : vector<16xi32>
      %parallel_loop3A_217 = tpu.vector_load_idx %arg7[%parallel_loop3A_216] : memref<32768xi32, #tpu.memory_space<vmem>>[vector<16xi32>], vector<16xi32>,
      %parallel_loop3A_218 = arith.addi %parallel_loop3A_214, %parallel_loop3A_217 : vector<16xi32>
      %parallel_loop3A_219 = vector.broadcast %parallel_loop3A_195 : i32 to vector<16xi32>
      %parallel_loop3A_220 = arith.addi %add3A_131, %parallel_loop3A_219 : vector<16xi32>
      %parallel_loop3A_221 = tpu.vector_load_idx %arg7[%parallel_loop3A_220] : memref<32768xi32, #tpu.memory_space<vmem>>[vector<16xi32>], vector<16xi32>,
      %parallel_loop3A_222 = arith.addi %parallel_loop3A_218, %parallel_loop3A_221 : vector<16xi32>
      %parallel_loop3A_223 = vector.broadcast %parallel_loop3A_195 : i32 to vector<16xi32>
      %parallel_loop3A_224 = arith.addi %add3A_137, %parallel_loop3A_223 : vector<16xi32>
      %parallel_loop3A_225 = tpu.vector_load_idx %arg7[%parallel_loop3A_224] : memref<32768xi32, #tpu.memory_space<vmem>>[vector<16xi32>], vector<16xi32>,
      %parallel_loop3A_226 = arith.addi %parallel_loop3A_222, %parallel_loop3A_225 : vector<16xi32>
      %parallel_loop3A_227 = vector.broadcast %parallel_loop3A_195 : i32 to vector<16xi32>
      %parallel_loop3A_228 = arith.addi %add3A_143, %parallel_loop3A_227 : vector<16xi32>
      %parallel_loop3A_229 = tpu.vector_load_idx %arg7[%parallel_loop3A_228] : memref<32768xi32, #tpu.memory_space<vmem>>[vector<16xi32>], vector<16xi32>,
      %parallel_loop3A_230 = arith.addi %parallel_loop3A_226, %parallel_loop3A_229 : vector<16xi32>
      %parallel_loop3A_231 = vector.broadcast %parallel_loop3A_195 : i32 to vector<16xi32>
      %parallel_loop3A_232 = arith.addi %add3A_149, %parallel_loop3A_231 : vector<16xi32>
      %parallel_loop3A_233 = tpu.vector_load_idx %arg7[%parallel_loop3A_232] : memref<32768xi32, #tpu.memory_space<vmem>>[vector<16xi32>], vector<16xi32>,
      %parallel_loop3A_234 = arith.addi %parallel_loop3A_230, %parallel_loop3A_233 : vector<16xi32>
      %parallel_loop3A_235 = vector.broadcast %parallel_loop3A_195 : i32 to vector<16xi32>
      %parallel_loop3A_236 = arith.addi %add3A_155, %parallel_loop3A_235 : vector<16xi32>
      %parallel_loop3A_237 = tpu.vector_load_idx %arg7[%parallel_loop3A_236] : memref<32768xi32, #tpu.memory_space<vmem>>[vector<16xi32>], vector<16xi32>,
      %parallel_loop3A_238 = arith.addi %parallel_loop3A_234, %parallel_loop3A_237 : vector<16xi32>
      %parallel_loop3A_239 = vector.broadcast %parallel_loop3A_195 : i32 to vector<16xi32>
      %parallel_loop3A_240 = arith.addi %add3A_161, %parallel_loop3A_239 : vector<16xi32>
      %parallel_loop3A_241 = tpu.vector_load_idx %arg7[%parallel_loop3A_240] : memref<32768xi32, #tpu.memory_space<vmem>>[vector<16xi32>], vector<16xi32>,
      %parallel_loop3A_242 = arith.addi %parallel_loop3A_238, %parallel_loop3A_241 : vector<16xi32>
      %parallel_loop3A_243 = vector.broadcast %parallel_loop3A_195 : i32 to vector<16xi32>
      %parallel_loop3A_244 = arith.addi %add3A_167, %parallel_loop3A_243 : vector<16xi32>
      %parallel_loop3A_245 = tpu.vector_load_idx %arg7[%parallel_loop3A_244] : memref<32768xi32, #tpu.memory_space<vmem>>[vector<16xi32>], vector<16xi32>,
      %parallel_loop3A_246 = arith.addi %parallel_loop3A_242, %parallel_loop3A_245 : vector<16xi32>
      %parallel_loop3A_247 = vector.broadcast %parallel_loop3A_195 : i32 to vector<16xi32>
      %parallel_loop3A_248 = arith.addi %add3A_173, %parallel_loop3A_247 : vector<16xi32>
      %parallel_loop3A_249 = tpu.vector_load_idx %arg7[%parallel_loop3A_248] : memref<32768xi32, #tpu.memory_space<vmem>>[vector<16xi32>], vector<16xi32>,
      %parallel_loop3A_250 = arith.addi %parallel_loop3A_246, %parallel_loop3A_249 : vector<16xi32>
      %parallel_loop3A_251 = vector.broadcast %parallel_loop3A_195 : i32 to vector<16xi32>
      %parallel_loop3A_252 = arith.addi %add3A_179, %parallel_loop3A_251 : vector<16xi32>
      %parallel_loop3A_253 = tpu.vector_load_idx %arg7[%parallel_loop3A_252] : memref<32768xi32, #tpu.memory_space<vmem>>[vector<16xi32>], vector<16xi32>,
      %parallel_loop3A_254 = arith.addi %parallel_loop3A_250, %parallel_loop3A_253 : vector<16xi32>
      %parallel_loop3A_255 = vector.broadcast %parallel_loop3A_195 : i32 to vector<16xi32>
      %parallel_loop3A_256 = arith.addi %add3A_185, %parallel_loop3A_255 : vector<16xi32>
      %parallel_loop3A_257 = tpu.vector_load_idx %arg7[%parallel_loop3A_256] : memref<32768xi32, #tpu.memory_space<vmem>>[vector<16xi32>], vector<16xi32>,
      %parallel_loop3A_258 = arith.addi %parallel_loop3A_254, %parallel_loop3A_257 : vector<16xi32>
      %parallel_loop3A_259 = arith.index_cast %parallel_loop3A_193 : i32 to index
      %parallel_loop3A_260 = tpu.vector_load %arg8[%parallel_loop3A_259] {strides = array<i32>} : memref<2048xi32, #tpu.memory_space<vmem>>, vector<16xi32>,
      tpu.vector_store %arg8[%parallel_loop3A_259], %parallel_loop3A_258 {strides = array<i32>} : memref<2048xi32, #tpu.memory_space<vmem>>, vector<16xi32>,
    } {sc.loop_unroll_factor = 1 : i64, sc.parallel_access}
    %mul3A_189 = arith.constant 2048 : i32
    %mul3A_190 = arith.muli %add3A, %mul3A_189 : i32
    "tpu.region"() ({
      %run_scoped3A = tpu.sem_alloc : memref<!tpu.dma_semaphore, #tpu.memory_space<semaphore_mem>>
      %dma_start3A_191 = tpu.memref_slice %arg4[%mul3A_190] : memref<65536xi32, #tpu.memory_space<hbm>> -> memref<2048xi32, #tpu.memory_space<hbm>>
      %dma_start3A_192 = tpu.memref_slice %arg4[%mul3A_190] : memref<65536xi32, #tpu.memory_space<hbm>> -> memref<2048xi32, #tpu.memory_space<hbm>>
      tpu.enqueue_dma source(%arg8 : memref<2048xi32, #tpu.memory_space<vmem>>) target(%dma_start3A_192 : memref<2048xi32, #tpu.memory_space<hbm>>) target_semaphore(%run_scoped3A : memref<!tpu.dma_semaphore, #tpu.memory_space<semaphore_mem>>)
      %dma_wait3A_193 = tpu.memref_slice %arg4[%mul3A_190] : memref<65536xi32, #tpu.memory_space<hbm>> -> memref<2048xi32, #tpu.memory_space<hbm>>
      %dma_wait3A_194 = tpu.memref_slice %arg4[%mul3A_190] : memref<65536xi32, #tpu.memory_space<hbm>> -> memref<2048xi32, #tpu.memory_space<hbm>>
      tpu.wait_dma2 semaphore(%run_scoped3A : memref<!tpu.dma_semaphore, #tpu.memory_space<semaphore_mem>>) src(%arg8 : memref<2048xi32, #tpu.memory_space<vmem>>) dst(%dma_wait3A_194 : memref<2048xi32, #tpu.memory_space<hbm>>)
      tpu.yield
    }) : () -> ()
    return
  }
}

</mosaic_0001>

<sc_bundles>
// kernel: kernel.3.cloned.1.call-start
scs
__scs_entry_jumppad:
0x0: {  	(pc) =	sbr.rel $0x88, $3  }
0x1: {  	(tag) =	ssettag $0x0;
	lr =	simm.s32 $0x1  }
0x2: {  	[smem:$0x3FA0] =	sst lr;
	_ =	strace $0xD0000000  }
0x3: {  	_ = 	snop  }
0x4: {  	_ = 	snop  }
0x5: {  	_ = 	snop  }
0x6: {  	_ = 	snop  }
0x7: {  	_ = 	snop  }
__scs_overlays_trampoline_lowered:
0x8: {  	[smem:$0x3FAF] =	sst s0  }
0x9: {  	[smem:$0x3FB0] =	sst s1  }
0xa: {  	[smem:$0x3FB1] =	sst s2  }
0xb: {  	[smem:$0x3FB2] =	sst s3  }
0xc: {  	[smem:$0x3FB3] =	sst s4  }
0xd: {  	[smem:$0x3FB4] =	sst s5  }
0xe: {  	[smem:$0x3FB5] =	sst s6  }
0xf: {  	[smem:$0x3FB6] =	sst s7  }
0x10: {  	[smem:$0x3FB7] =	sst s8  }
0x11: {  	[smem:$0x3FB8] =	sst s9;
	s0 =	simm.s32 @!p0 $0x0  }
0x12: {  	s1 =	sld [smem:$0x3F9E];
	s0 =	simm.s32 @p0 $0x1  }
0x13: {  	[smem:$0x3FB9] =	sst s0;
	s0 =	simm.s32 @!p1 $0x0  }
0x14: {  	s2 =	sld [smem:$0x3F9D];
	s0 =	simm.s32 @p1 $0x1  }
0x15: {  	[smem:$0x3FBA] =	sst s0;
	s0 =	simm.s32 @!p2 $0x0  }
0x16: {  	s3 =	sld [smem:$0x3FDB];
	s0 =	simm.s32 @p2 $0x1  }
0x17: {  	s4 =	simm.s32 $0x1BF5;
	[smem:$0x3FBC] =	sst s0  }
0x18: {  	s0 =	sld [smem:$0x3F9F];
	_ =	swait.ge [sflag:s4], $0x0  }
0x19: {  	s7 =	sld [smem:$0x3FA0]  }
0x1a: {  	s8 =	sadd.s32 $0xFFFFE003, lr  }
0x1b: {  	s9 =	sadd.s32 $0xFFFFFEF7, lr;
	s5 =	simm.s32 $0xFFFFFFFF;
	p2 =	slt.u32 s8, $0xFFFFF086  }
0x1c: {  	p1 =	slt.u32 s9, $0xF7A;
	s5 =	simm.s32 @!p2 $0x0  }
0x1d: {  	s5 =	simm.s32 @p1 $0x1;
	p0 =	seq.s32 s7, s2  }
0x1e: {  	s7 =	smul.u32 @!p0 $0xF7A, s2;
	p2 =	seq.s32 @!p0 s5, $0x0  }
0x1f: {  	s9 =	smul.u32 $0xF7A, s1;
	s8 =	simm.s32 @!p0 $0x1BF5;
	p2 =	por !p2, p0  }
0x20: {  	[sflag:s8] =	ssyncset.s32 @!p0 $0xFFFFF086;
	s6 =	sadd.s32 @!p0 s3, s7;
	s7 =	simm.s32 @!p0 $0x108  }
0x21: {  	s3 =	sadd.s32 s3, s9;
	s6 =	sadd.s32 @!p0 $0x88, s6;
	s7 =	simm.s32 @p2 $0x1082  }
0x22: {  	[simem:s7], [sflag:s8] =	dma.local @!p0 [hbm:s6], $0xF7A  }
0x23: {  	s9 =	sor.u32 $0xD0000000, s2;
	s6 =	simm.s32 $0x108;
	_ =	swait.ge @!p0 [sflag:s8], $0x0  }
0x24: {  	s3 =	sadd.s32 $0x88, s3;
	s6 =	simm.s32 @!p1 $0x1082;
	[sflag:s4] =	ssyncset.s32 $0xFFFFF086  }
0x25: {  	[simem:s6], [sflag:s4] =	dma.local [hbm:s3], $0xF7A  }
0x26: {  	[smem:$0x3FA0] =	sst s1;
	(tag) =	ssettag s2;
	_ =	strace s9  }
0x27: {  	s1 =	sld [smem:$0x3FB0]  }
0x28: {  	s2 =	sld [smem:$0x3FB1]  }
0x29: {  	s4 =	sld [smem:$0x3FB3]  }
0x2a: {  	p0 =	seq.s32 s5, $0x0;
	s5 =	sld [smem:$0x3FB4]  }
0x2b: {  	s6 =	sld [smem:$0x3FB5]  }
0x2c: {  	s7 =	sld [smem:$0x3FB6]  }
0x2d: {  	s3 =	simm.s32 $0x108;
	s8 =	sld [smem:$0x3FB7]  }
0x2e: {  	s3 =	simm.s32 @!p0 $0x1082;
	s9 =	sld [smem:$0x3FB8]  }
0x2f: {  	lr =	sadd.s32 s0, s3;
	s0 =	sld [smem:$0x3FAF]  }
0x30: {  	s3 =	sld [smem:$0x3FB2]  }
0x31: {  	[smem:$0x3FBB] =	sst s10  }
0x32: {  	s10 =	sld [smem:$0x3FB9];
	_ =	sdelay $0x3  }
0x33: {  	p0 =	seq.s32 s10, $0x1;
	s10 =	sld [smem:$0x3FBB];
	_ =	sdelay $0x3  }
0x34: {  	[smem:$0x3FBB] =	sst s10  }
0x35: {  	s10 =	sld [smem:$0x3FBA];
	_ =	sdelay $0x3  }
0x36: {  	p1 =	seq.s32 s10, $0x1;
	s10 =	sld [smem:$0x3FBB];
	_ =	sdelay $0x3  }
0x37: {  	[smem:$0x3FBB] =	sst s10  }
0x38: {  	s10 =	sld [smem:$0x3FBC]  }
0x39: {  	_ = 	snop;
	(pc) =	sbr.ind lr, $3  }
0x3a: {  	_ = 	snop  }
0x3b: {  	_ = 	snop  }
0x3c: {  	p2 =	seq.s32 s10, $0x1;
	s10 =	sld [smem:$0x3FBB]  }
0x3d: {  	_ =	shalt  }
0x3e: {  	_ =	shalt  }
0x3f: {  	_ =	shalt  }
0x40: {  	_ =	shalt  }
0x41: {  	_ =	shalt  }
0x42: {  	_ =	shalt  }
0x43: {  	_ =	shalt  }
0x44: {  	_ =	shalt  }
0x45: {  	_ =	shalt  }
0x46: {  	_ =	shalt  }
0x47: {  	_ =	shalt  }
0x48: {  	_ =	shalt  }
0x49: {  	_ =	shalt  }
0x4a: {  	_ =	shalt  }
0x4b: {  	_ =	shalt  }
0x4c: {  	_ =	shalt  }
0x4d: {  	_ =	shalt  }
0x4e: {  	_ =	shalt  }
0x4f: {  	_ =	shalt  }
0x50: {  	_ =	shalt  }
0x51: {  	_ =	shalt  }
0x52: {  	_ =	shalt  }
0x53: {  	_ =	shalt  }
0x54: {  	_ =	shalt  }
0x55: {  	_ =	shalt  }
0x56: {  	_ =	shalt  }
0x57: {  	_ =	shalt  }
0x58: {  	_ =	shalt  }
0x59: {  	_ =	shalt  }
0x5a: {  	_ =	shalt  }
0x5b: {  	_ =	shalt  }
0x5c: {  	_ =	shalt  }
0x5d: {  	_ =	shalt  }
0x5e: {  	_ =	shalt  }
0x5f: {  	_ =	shalt  }
0x60: {  	_ =	shalt  }
0x61: {  	_ =	shalt  }
0x62: {  	_ =	shalt  }
0x63: {  	_ =	shalt  }
0x64: {  	_ =	shalt  }
0x65: {  	_ =	shalt  }
0x66: {  	_ =	shalt  }
0x67: {  	_ =	shalt  }
0x68: {  	_ =	shalt  }
0x69: {  	_ =	shalt  }
0x6a: {  	_ =	shalt  }
0x6b: {  	_ =	shalt  }
0x6c: {  	_ =	shalt  }
0x6d: {  	_ =	shalt  }
0x6e: {  	_ =	shalt  }
0x6f: {  	_ =	shalt  }
0x70: {  	_ =	shalt  }
0x71: {  	_ =	shalt  }
0x72: {  	_ =	shalt  }
0x73: {  	_ =	shalt  }
0x74: {  	_ =	shalt  }
0x75: {  	_ =	shalt  }
0x76: {  	_ =	shalt  }
0x77: {  	_ =	shalt  }
0x78: {  	_ =	shalt  }
0x79: {  	_ =	shalt  }
0x7a: {  	_ =	shalt  }
0x7b: {  	_ =	shalt  }
0x7c: {  	_ =	shalt  }
0x7d: {  	_ =	shalt  }
0x7e: {  	_ =	shalt  }
0x7f: {  	_ =	shalt  }
0x80: {  	_ =	shalt  }
0x81: {  	_ =	shalt  }
0x82: {  	_ =	shalt  }
0x83: {  	_ =	shalt  }
0x84: {  	_ =	shalt  }
0x85: {  	_ =	shalt  }
0x86: {  	_ =	shalt  }
0x87: {  	_ =	shalt  }
.Lfunc_end0:
.L_simem_size_0:
called_computation_lowered:
.L_overlay_start_0:
0x88: {  	s2 =	sld [smem:$0x3FD9]  }
0x89: {  	s3 =	sld [smem:$0x3FFE];
	_ =	sdelay $0x1  }
0x8a: {  	s1 =	srdreg.scid  }
0x8b: {  	s0 =	sand.u32 $0x1, s1  }
0x8c: {  	s17 =	sshll.u32 s0, $0xA;
	s2 =	sadd.s32 s3, s2  }
0x8d: {  	s2 =	sadd.s32 s2, s17  }
0x8e: {  	[smem:$0x3FC7] =	sst s2  }
0x8f: {  	_ = 	snop  }
0x90: {  	s2 =	sld [smem:$0x3FC9]  }
0x91: {  	s18 =	sld [smem:$0x3FD0];
	(tm) =	ssettm $0x1  }
0x92: {  	s4 =	sld [smem:$0x3FFB];
	_ =	sdelay $0x3  }
0x93: {  	_ =	strace s4  }
0x94: {  	s4 =	sld [smem:$0x3FFC];
	_ =	sdelay $0x3  }
0x95: {  	_ =	strace s4  }
0x96: {  	s4 =	sld [smem:$0x3FFD];
	_ =	sdelay $0x3  }
0x97: {  	_ =	strace s4  }
0x98: {  	_ =	strace $0x8FFFFFFF  }
0x99: {  	s19 =	sld [smem:$0x3FDB];
	_ =	sdelay $0x1  }
0x9a: {  	s5 =	simm.s32 $_scs_section_size  }
0x9b: {  	s6 =	simm.s32 $_size__tile_overlayer_lowered;
	s7 =	simm.s32 $_tile_overlayer_lowered  }
0x9c: {  	s22 =	simm.s32 $0x1BFF;
	s21 =	sshll.u32 s7, $0x1;
	s4 =	sadd.s32 s5, s19  }
0x9d: {  	s8 =	simm.s32 $0x0;
	s20 =	sshll.u32 s6, $0x1;
	s6 =	sadd.s32 s21, s4  }
0x9e: {  	[timem:s8], [sflag:s22] =	dma.local [hbm:s6], s20  }
0x9f: {  	_ =	swait.ge [sflag:s22], s20  }
0xa0: {  	s5 =	ssub.s32 $0x0, s20;
	[sflag:s22] =	ssyncset.done $0x0  }
0xa1: {  	[sflag:s22] =	ssyncadd.s32 s5;
	_ =	sdelay $0x1  }
0xa2: {  	s23 =	simm.s32 $0x1B8B  }
0xa3: {  	_ =	swait.ge [sflag:s23], $0x1  }
0xa4: {  	[sflag:s23] =	ssyncset.done $0x0  }
0xa5: {  	s25 =	simm.s32 $0x1B8E;
	s24 =	sld [smem:$0x3FFE];
	[sflag:s23] =	ssyncadd.s32 $0xFFFFFFFF  }
0xa6: {  	s26 =	simm.s32 $execute0_lowered;
	[smem:$0x3FD2] =	sst s25  }
0xa7: {  	s6 =	sshll.u32 s26, $0x1;
	_ =	strace $0x80000046;
	[dreg:$0x1] =	wrdreg $0xFFFFFFFF  }
0xa8: {  	s28 =	simm.s32 $_size_execute0_lowered;
	s4 =	sadd.s32 s4, s6;
	[dreg:$0x0] =	wrdreg $0x0  }
0xa9: {  	s6 =	sshll.u32 s28, $0x1;
	[dreg:$0x2] =	wrdreg s4  }
0xaa: {  	[dreg:$0x3] =	wrdreg s6  }
0xab: {  	[dreg:$0x4] =	wrdreg $0xC0  }
0xac: {  	_ =	task [dreg:s8], $0x5FFFF  }
0xad: {  	[dreg:$0x1] =	wrdreg $0xFFFFFFFF  }
0xae: {  	[dreg:$0x0] =	wrdreg $0x60  }
0xaf: {  	[dreg:$0x2] =	wrdreg s2  }
0xb0: {  	[dreg:$0x3] =	wrdreg s18  }
0xb1: {  	[dreg:$0x4] =	wrdreg s24  }
0xb2: {  	[dreg:$0x5] =	wrdreg $0x9  }
0xb3: {  	_ =	task.clear_ibuf [dreg:s8], $0x6FFFF;
	_ =	strace $0x90000046  }
0xb4: {  	s29 =	simm.s32 $0x9;
	_ =	strace $0x80000048  }
0xb5: {  	_ =	swait.ge [sflag:s29], $0x1  }
0xb6: {  	[sflag:s29] =	ssyncadd.s32 $0xFFFFFFFF  }
0xb7: {  	_ =	strace $0x90000048  }
0xb8: {  	_ =	sfence  }
0xb9: {  	s30 =	sld [smem:$0x0];
	_ =	sdelay $0x2  }
0xba: {  	s31 =	sshll.u32 s1, $0xD;
	s1 =	sshrl.u32 s1, $0x2  }
0xbb: {  	s3 =	sand.u32 $0x4000, s31;
	s1 =	sadd.s32 s1, s30  }
0xbc: {  	s0 =	sor.u32 s3, s0;
	s1 =	sshll.u32 s1, $0x11  }
0xbd: {  	s0 =	sor.u32 s1, s0  }
0xbe: {  	s0 =	sadd.s32 $0x8F2B, s0  }
0xbf: {  	[sflag:s0] =	ssyncadd.remote.s32 $0x1  }
0xc0: {  	_ =	sfence.sel $0xFFFF  }
0xc1: {  	[dreg:$0x0] =	wrdreg $0xFFFFFFFF;
	(pc) =	sbr.abs _section_cstart, $3  }
0xc2: {  	[dreg:$0x1] =	wrdreg $0xFFFFFFFF  }
0xc3: {  	_ =	task.clear_ibuf [dreg:s8], $0x2FFFF;
	_ =	strace $0x9FFFFFFF  }
0xc4: {  	(tm) =	ssettm $0x7FFFFFFF  }
0xc5: {  	_ =	shalt  }
tec
execute0_lowered:
.L_overlay_start_1:
0x0: {  	(tag) =	ssettag $0x1  }
0x1: {  	s4 =	rddreg [dreg:$0x0]  }
0x2: {  	s1 =	srdreg.scid;
	s7 =	rddreg [dreg:$0x1]  }
0x3: {  	s0 =	stileid.u32;
	s9 =	rddreg [dreg:$0x2];
	s2 =	simm.s32 $0x0  }
0x4: {  	s13 =	simm.s32 $0x2;
	s15 =	simm.s32 $0x17800;
	s16 =	simm.s32 $0x0  }
0x5: {  	s3 =	sand.u32 $0x1, s1;
	s14 =	sshrl.u32 s0, $0x2;
	s1 =	rddreg [dreg:$0x3]  }
0x6: {  	s26 =	sshll.u32 s0, $0x1;
	[smem:$0x7FF] =	sst s2;
	s10 =	smul.u32 $0x1E8400, s14  }
0x7: {  	v0 =	vimm.s32 $0x0;
	v1 =	vlaneseq.u32;
	v2 =	vimm.s32 $0x1;
	s6 =	sor.u32 s3, s26;
	s11 =	ssub.s32 $0x2, s3;
	s12 =	smul.u32 $0x3D080, s14  }
0x8: {  	v11 =	vimm.s32 $0xFFFFFFFC;
	v3 =	vor.u32 $0x1000, v1;
	v4 =	vor.u32 $0x2000, v1;
	_ =	strace $0x80000047;
	p0 =	sne.s32 s14, $0x3;
	s8 =	sand.u32 $0x7, s6  }
0x9: {  	v5 =	vor.u32 $0x3000, v1;
	v6 =	vor.u32 $0x4000, v1;
	v8 =	vmul.u32 $0x10, v1;
	s14 =	simm.s32 $0x3;
	s29 =	sshrl.u32 s11, $0x1;
	s5 =	smul.u32 $0x7A1400, s8  }
0xa: {  	v7 =	vor.u32 $0x5000, v1;
	v9 =	vor.u32 $0x6000, v1;
	v10 =	vor.u32 $0x7000, v1;
	s31 =	sshll.u32 s6, $0x8;
	s12 =	sadd.s32 s12, s4;
	s8 =	sshll.u32 s8, $0x7  }
0xb: {  	v12 =	vor.u32 $0x1, v8;
	v13 =	vor.u32 $0x2, v8;
	v14 =	vor.u32 $0x3, v8;
	s7 =	sadd.s32 s7, s8;
	s8 =	sadd.s32 s9, s31;
	s28 =	sadd.s32 s10, s5  }
0xc: {  	v15 =	vor.u32 $0x4, v8;
	v16 =	vor.u32 $0x5, v8;
	v17 =	vor.u32 $0x6, v8;
	s5 =	sshrl.u32 s5, $0x3;
	s10 =	ssub.s32 s11, s29;
	s11 =	simm.s32 $0x1  }
0xd: {  	v18 =	vor.u32 $0x7, v8;
	v19 =	vor.u32 $0x8, v8;
	v20 =	vor.u32 $0x9, v8;
	s3 =	sshrl.u32 s28, $0x3;
	s30 =	sadd.s32 s5, s12;
	s9 =	smax.u32 s10, $0x1  }
0xe: {  	v21 =	vor.u32 $0xA, v8;
	v22 =	vor.u32 $0xB, v8;
	v23 =	vor.u32 $0xC, v8;
	s10 =	simm.s32 $0x7C00;
	s12 =	simm.s32 $0xF800;
	s3 =	sadd.s32 s4, s3  }
0xf: {  	v24 =	vor.u32 $0xD, v8;
	v25 =	vor.u32 $0xE, v8;
	v26 =	vor.u32 $0xF, v8;
	s5 =	sadd.s32 $0x1F00, s30;
	s6 =	sadd.s32 $0x2E80, s30;
	s4 =	sadd.s32 $0xF80, s3  }
.LBB2_1:
0x10: {  	s17 =	simm.s32 $0xF840  }
0x11: {  	[tilespmem:s17+$0xFFFFFFC0] =	vst v0  }
0x12: {  	[tilespmem:s17+$0x30] =	vst v0  }
0x13: {  	[tilespmem:s17+$0x20] =	vst v0  }
0x14: {  	[tilespmem:s17+$0x10] =	vst v0  }
0x15: {  	[tilespmem:s17+$0x0] =	vst v0  }
0x16: {  	[tilespmem:s17+$0xFFFFFFF0] =	vst v0  }
0x17: {  	s18 =	simm.s32 $0x0;
	[tilespmem:s17+$0xFFFFFFE0] =	vst v0  }
.LBB2_2:
0x18: {  	s18 =	sadd.s32 $0x8, s18;
	[tilespmem:s17+$0xFFFFFFD0] =	vst v0;
	s17 =	sadd.s32 $0x80, s17  }
0x19: {  	[tilespmem:s17+$0xFFFFFFC0] =	vst v0;
	p1 =	slt.u32 s18, $0x7F8  }
0x1a: {  	[tilespmem:s17+$0x30] =	vst v0  }
.Ltmp0:
0x1b: {  	[tilespmem:s17+$0x20] =	vst v0;
	(pc) =	sbr.rel @p1 .LBB2_2-.Ltmp0, $4  }
0x1c: {  	[tilespmem:s17+$0x10] =	vst v0  }
0x1d: {  	[tilespmem:s17+$0x0] =	vst v0  }
0x1e: {  	[tilespmem:s17+$0xFFFFFFF0] =	vst v0  }
0x1f: {  	[tilespmem:s17+$0xFFFFFFE0] =	vst v0  }
0x20: {  	[tilespmem:s17+$0xFFFFFFD0] =	vst v0;
	s17 =	simm.s32 $0x0  }
0x21: {  	[tilespmem:s17], [sflag:$0x1] =	stream.linear.gather [hbm4b:s3+s17], $0x7C00, $0x38;
	[tilespmem:$0x18000] =	vst v63  }
0x22: {  	_ = 	snop  }
0x23: {  	[tilespmem:s10], [sflag:$0x2] =	stream.linear.gather [hbm4b:s4+s17], $0x7C00, $0x38;
	[tilespmem:$0x18000] =	vst v63  }
.LBB2_4:
0x24: {  	_ =	swait.ge [sflag:s11], $0x7C00  }
0x25: {  	[sflag:s11] =	ssyncset.done $0x0  }
0x26: {  	s18 =	simm.s32 $0x200;
	[sflag:s11] =	ssyncadd.s32 $0xFFFF8400  }
0x27: {  	v27 =	vld [tilespmem:s18+$0xFFFFFE70];
	_ =	sdelay $0x3  }
0x28: {  	v28 =	vld [tilespmem:s18+$0xFFFFFE10]  }
0x29: {  	v30 =	vld [tilespmem:s18+$0xFFFFFE30];
	v27 =	vshll.u32 v27, $0x4  }
0x2a: {  	v29 =	vld [tilespmem:s18+$0xFFFFFE20];
	v27 =	vor.u32 v1, v27;
	_ =	sdelay $0x1  }
0x2b: {  	v31 =	vld [tilespmem:s18+$0xFFFFFE00];
	_ =	sdelay $0x1  }
0x2c: {  	v28 =	vshll.u32 v28, $0x4;
	v30 =	vshll.u32 v30, $0x4  }
0x2d: {  	v30 =	vor.u32 v1, v30;
	[tilespmem:v27+s12+$0x0] =	vst.idx.add.s32.msk $0xffff, v2;
	v27 =	vor.u32 v1, v28;
	v28 =	vshll.u32 v29, $0x4  }
0x2e: {  	v32 =	vld [tilespmem:s18+$0xFFFFFE40];
	v28 =	vor.u32 v1, v28  }
0x2f: {  	v31 =	vshll.u32 v31, $0x4;
	v29 =	vld [tilespmem:s18+$0xFFFFFEF0]  }
0x30: {  	v33 =	vld [tilespmem:s18+$0xFFFFFE50];
	v31 =	vor.u32 v1, v31  }
0x31: {  	v34 =	vld [tilespmem:s18+$0xFFFFFE60]  }
0x32: {  	[tilespmem:v30+s12+$0x0] =	vst.idx.add.s32.msk $0xffff, v2  }
0x33: {  	[tilespmem:v28+s12+$0x0] =	vst.idx.add.s32.msk $0xffff, v2;
	v28 =	vshll.u32 v32, $0x4  }
0x34: {  	[tilespmem:v27+s12+$0x0] =	vst.idx.add.s32.msk $0xffff, v2;
	v27 =	vshll.u32 v29, $0x4;
	v28 =	vor.u32 v1, v28  }
0x35: {  	[tilespmem:v31+s12+$0x0] =	vst.idx.add.s32.msk $0xffff, v2;
	v27 =	vadd.s32 v3, v27  }
0x36: {  	v29 =	vshll.u32 v33, $0x4;
	v31 =	vld [tilespmem:s18+$0xFFFFFE90]  }
0x37: {  	v30 =	vld [tilespmem:s18+$0xFFFFFE80];
	v29 =	vor.u32 v1, v29  }
0x38: {  	v62 =	vshll.u32 v34, $0x4;
	v63 =	vld [tilespmem:s18+$0xFFFFFEA0]  }
0x39: {  	[tilespmem:v28+s12+$0x0] =	vst.idx.add.s32.msk $0xffff, v2;
	v28 =	vor.u32 v1, v62  }
0x3a: {  	[tilespmem:v27+s12+$0x0] =	vst.idx.add.s32.msk $0xffff, v2  }
0x3b: {  	v31 =	vshll.u32 v31, $0x4;
	v27 =	vld [tilespmem:s18+$0xFFFFFF70]  }
0x3c: {  	[tilespmem:v29+s12+$0x0] =	vst.idx.add.s32.msk $0xffff, v2;
	v31 =	vadd.s32 v3, v31  }
0x3d: {  	v29 =	vshll.u32 v30, $0x4;
	v30 =	vld [tilespmem:s18+$0xFFFFFEB0]  }
0x3e: {  	v29 =	vadd.s32 v3, v29;
	[tilespmem:v28+s12+$0x0] =	vst.idx.add.s32.msk $0xffff, v2;
	v28 =	vshll.u32 v63, $0x4  }
0x3f: {  	v36 =	vld [tilespmem:s18+$0xFFFFFEC0];
	v28 =	vadd.s32 v3, v28  }
0x40: {  	v37 =	vld [tilespmem:s18+$0xFFFFFED0];
	v27 =	vshll.u32 v27, $0x4  }
0x41: {  	[tilespmem:v31+s12+$0x0] =	vst.idx.add.s32.msk $0xffff, v2;
	v27 =	vadd.s32 v4, v27  }
0x42: {  	v38 =	vld [tilespmem:s18+$0xFFFFFEE0]  }
0x43: {  	v30 =	vshll.u32 v30, $0x4;
	[tilespmem:v29+s12+$0x0] =	vst.idx.add.s32.msk $0xffff, v2  }
0x44: {  	v29 =	vadd.s32 v3, v30;
	v30 =	vshll.u32 v36, $0x4;
	[tilespmem:v28+s12+$0x0] =	vst.idx.add.s32.msk $0xffff, v2  }
0x45: {  	v30 =	vadd.s32 v3, v30;
	v28 =	vld [tilespmem:s18+$0xFFFFFF00]  }
0x46: {  	v31 =	vshll.u32 v37, $0x4;
	[tilespmem:v27+s12+$0x0] =	vst.idx.add.s32.msk $0xffff, v2  }
0x47: {  	v27 =	vadd.s32 v3, v31;
	v31 =	vld [tilespmem:s18+$0xFFFFFFF0];
	_ =	sdelay $0x1  }
0x48: {  	[tilespmem:v29+s12+$0x0] =	vst.idx.add.s32.msk $0xffff, v2  }
0x49: {  	[tilespmem:v30+s12+$0x0] =	vst.idx.add.s32.msk $0xffff, v2;
	v30 =	vshll.u32 v38, $0x4  }
0x4a: {  	v30 =	vadd.s32 v3, v30;
	v40 =	vld [tilespmem:s18+$0xFFFFFF40];
	v28 =	vshll.u32 v28, $0x4  }
0x4b: {  	[tilespmem:v27+s12+$0x0] =	vst.idx.add.s32.msk $0xffff, v2;
	v28 =	vadd.s32 v4, v28;
	v27 =	vshll.u32 v31, $0x4  }
0x4c: {  	v29 =	vld [tilespmem:s18+$0xFFFFFF10];
	v27 =	vadd.s32 v5, v27  }
0x4d: {  	v31 =	vld [tilespmem:s18+$0xFFFFFF20]  }
0x4e: {  	v39 =	vld [tilespmem:s18+$0xFFFFFF30]  }
0x4f: {  	[tilespmem:v30+s12+$0x0] =	vst.idx.add.s32.msk $0xffff, v2  }
0x50: {  	v33 =	vshll.u32 v40, $0x4;
	[tilespmem:v28+s12+$0x0] =	vst.idx.add.s32.msk $0xffff, v2  }
0x51: {  	v29 =	vshll.u32 v29, $0x4;
	v28 =	vadd.s32 v4, v33;
	[tilespmem:v27+s12+$0x0] =	vst.idx.add.s32.msk $0xffff, v2  }
0x52: {  	v27 =	vadd.s32 v4, v29;
	v29 =	vshll.u32 v31, $0x4;
	v31 =	vld [tilespmem:s18+$0x70]  }
0x53: {  	v42 =	vld [tilespmem:s18+$0xFFFFFF60];
	v29 =	vadd.s32 v4, v29  }
0x54: {  	v41 =	vld [tilespmem:s18+$0xFFFFFF50];
	v30 =	vshll.u32 v39, $0x4  }
0x55: {  	v30 =	vadd.s32 v4, v30;
	v44 =	vld [tilespmem:s18+$0xFFFFFF80]  }
0x56: {  	[tilespmem:v28+s12+$0x0] =	vst.idx.add.s32.msk $0xffff, v2  }
0x57: {  	[tilespmem:v27+s12+$0x0] =	vst.idx.add.s32.msk $0xffff, v2;
	v27 =	vshll.u32 v31, $0x4  }
0x58: {  	[tilespmem:v29+s12+$0x0] =	vst.idx.add.s32.msk $0xffff, v2;
	v29 =	vshll.u32 v42, $0x4;
	v27 =	vadd.s32 v6, v27  }
0x59: {  	v28 =	vld [tilespmem:s18+$0xFFFFFF90];
	v29 =	vadd.s32 v4, v29  }
0x5a: {  	[tilespmem:v30+s12+$0x0] =	vst.idx.add.s32.msk $0xffff, v2  }
0x5b: {  	v45 =	vld [tilespmem:s18+$0xFFFFFFC0]  }
0x5c: {  	v43 =	vshll.u32 v41, $0x4;
	v31 =	vld [tilespmem:s18+$0xFFFFFFB0]  }
0x5d: {  	v33 =	vadd.s32 v4, v43;
	v30 =	vshll.u32 v44, $0x4;
	[tilespmem:v27+s12+$0x0] =	vst.idx.add.s32.msk $0xffff, v2  }
0x5e: {  	v28 =	vshll.u32 v28, $0x4;
	[tilespmem:v29+s12+$0x0] =	vst.idx.add.s32.msk $0xffff, v2;
	v29 =	vadd.s32 v5, v30  }
0x5f: {  	v30 =	vld [tilespmem:s18+$0xFFFFFFA0];
	v28 =	vadd.s32 v5, v28  }
0x60: {  	v27 =	vld [tilespmem:s18+$0xF0]  }
0x61: {  	v31 =	vshll.u32 v31, $0x4  }
0x62: {  	[tilespmem:v33+s12+$0x0] =	vst.idx.add.s32.msk $0xffff, v2;
	v31 =	vadd.s32 v5, v31  }
0x63: {  	v32 =	vshll.u32 v45, $0x4;
	[tilespmem:v29+s12+$0x0] =	vst.idx.add.s32.msk $0xffff, v2  }
0x64: {  	v29 =	vshll.u32 v30, $0x4;
	[tilespmem:v28+s12+$0x0] =	vst.idx.add.s32.msk $0xffff, v2;
	v28 =	vadd.s32 v5, v32  }
0x65: {  	v33 =	vld [tilespmem:s18+$0xFFFFFFD0];
	v27 =	vshll.u32 v27, $0x4;
	v29 =	vadd.s32 v5, v29  }
0x66: {  	v46 =	vld [tilespmem:s18+$0xFFFFFFE0];
	v27 =	vadd.s32 v7, v27  }
0x67: {  	[tilespmem:v31+s12+$0x0] =	vst.idx.add.s32.msk $0xffff, v2  }
0x68: {  	v30 =	vld [tilespmem:s18+$0x0]  }
0x69: {  	[tilespmem:v28+s12+$0x0] =	vst.idx.add.s32.msk $0xffff, v2  }
0x6a: {  	[tilespmem:v29+s12+$0x0] =	vst.idx.add.s32.msk $0xffff, v2  }
0x6b: {  	v29 =	vshll.u32 v46, $0x4;
	[tilespmem:v27+s12+$0x0] =	vst.idx.add.s32.msk $0xffff, v2  }
0x6c: {  	v28 =	vadd.s32 v5, v29;
	v27 =	vld [tilespmem:s18+$0x170]  }
0x6d: {  	v47 =	vshll.u32 v33, $0x4;
	v48 =	vld [tilespmem:s18+$0x10]  }
0x6e: {  	v32 =	vadd.s32 v5, v47;
	v31 =	vld [tilespmem:s18+$0x30]  }
0x6f: {  	v30 =	vshll.u32 v30, $0x4;
	v50 =	vld [tilespmem:s18+$0x40]  }
0x70: {  	v29 =	vld [tilespmem:s18+$0x20];
	v30 =	vadd.s32 v6, v30  }
0x71: {  	[tilespmem:v28+s12+$0x0] =	vst.idx.add.s32.msk $0xffff, v2;
	v27 =	vshll.u32 v27, $0x4  }
0x72: {  	v49 =	vshll.u32 v48, $0x4;
	v28 =	vld [tilespmem:s18+$0x60];
	v27 =	vadd.s32 v9, v27  }
0x73: {  	[tilespmem:v32+s12+$0x0] =	vst.idx.add.s32.msk $0xffff, v2;
	v32 =	vadd.s32 v6, v49  }
0x74: {  	v51 =	vld [tilespmem:s18+$0x50]  }
0x75: {  	[tilespmem:v30+s12+$0x0] =	vst.idx.add.s32.msk $0xffff, v2;
	v30 =	vshll.u32 v50, $0x4  }
0x76: {  	v29 =	vshll.u32 v29, $0x4;
	v30 =	vadd.s32 v6, v30  }
0x77: {  	v28 =	vshll.u32 v28, $0x4;
	[tilespmem:v27+s12+$0x0] =	vst.idx.add.s32.msk $0xffff, v2;
	v27 =	vadd.s32 v6, v29  }
0x78: {  	[tilespmem:v32+s12+$0x0] =	vst.idx.add.s32.msk $0xffff, v2;
	v29 =	vshll.u32 v31, $0x4;
	v28 =	vadd.s32 v6, v28  }
0x79: {  	v52 =	vld [tilespmem:s18+$0x80];
	v29 =	vadd.s32 v6, v29  }
0x7a: {  	v53 =	vld [tilespmem:s18+$0x90];
	v31 =	vshll.u32 v51, $0x4  }
0x7b: {  	[tilespmem:v30+s12+$0x0] =	vst.idx.add.s32.msk $0xffff, v2;
	v31 =	vadd.s32 v6, v31  }
0x7c: {  	[tilespmem:v27+s12+$0x0] =	vst.idx.add.s32.msk $0xffff, v2  }
0x7d: {  	[tilespmem:v28+s12+$0x0] =	vst.idx.add.s32.msk $0xffff, v2  }
0x7e: {  	[tilespmem:v29+s12+$0x0] =	vst.idx.add.s32.msk $0xffff, v2  }
0x7f: {  	v27 =	vld [tilespmem:s18+$0xA0]  }
0x80: {  	[tilespmem:v31+s12+$0x0] =	vst.idx.add.s32.msk $0xffff, v2;
	v29 =	vshll.u32 v52, $0x4  }
0x81: {  	v28 =	vadd.s32 v7, v29;
	v29 =	vshll.u32 v53, $0x4;
	v30 =	vld [tilespmem:s18+$0xB0]  }
0x82: {  	v31 =	vld [tilespmem:s18+$0xC0];
	v29 =	vadd.s32 v7, v29  }
0x83: {  	v54 =	vld [tilespmem:s18+$0xD0]  }
0x84: {  	v56 =	vld [tilespmem:s18+$0x1F0];
	v27 =	vshll.u32 v27, $0x4  }
0x85: {  	v55 =	vld [tilespmem:s18+$0xE0];
	v27 =	vadd.s32 v7, v27  }
0x86: {  	[tilespmem:v28+s12+$0x0] =	vst.idx.add.s32.msk $0xffff, v2;
	v28 =	vshll.u32 v30, $0x4  }
0x87: {  	[tilespmem:v29+s12+$0x0] =	vst.idx.add.s32.msk $0xffff, v2;
	v28 =	vadd.s32 v7, v28;
	v29 =	vshll.u32 v31, $0x4  }
0x88: {  	v30 =	vld [tilespmem:s18+$0x100];
	v31 =	vshll.u32 v54, $0x4;
	v29 =	vadd.s32 v7, v29  }
0x89: {  	v57 =	vld [tilespmem:s18+$0x110];
	v31 =	vadd.s32 v7, v31  }
0x8a: {  	v33 =	vshll.u32 v55, $0x4;
	[tilespmem:v27+s12+$0x0] =	vst.idx.add.s32.msk $0xffff, v2  }
0x8b: {  	v27 =	vadd.s32 v7, v33;
	v58 =	vld [tilespmem:s18+$0x120]  }
0x8c: {  	[tilespmem:v28+s12+$0x0] =	vst.idx.add.s32.msk $0xffff, v2  }
0x8d: {  	[tilespmem:v29+s12+$0x0] =	vst.idx.add.s32.msk $0xffff, v2  }
0x8e: {  	v28 =	vshll.u32 v56, $0x4;
	[tilespmem:v31+s12+$0x0] =	vst.idx.add.s32.msk $0xffff, v2  }
0x8f: {  	v28 =	vadd.s32 v10, v28;
	v29 =	vshll.u32 v30, $0x4;
	v59 =	vld [tilespmem:s18+$0x140]  }
0x90: {  	[tilespmem:v27+s12+$0x0] =	vst.idx.add.s32.msk $0xffff, v2;
	v27 =	vadd.s32 v9, v29;
	v29 =	vshll.u32 v57, $0x4  }
0x91: {  	v30 =	vld [tilespmem:s18+$0x130];
	v29 =	vadd.s32 v9, v29  }
0x92: {  	v60 =	vld [tilespmem:s18+$0x150];
	v31 =	vshll.u32 v58, $0x4  }
0x93: {  	v61 =	vld [tilespmem:s18+$0x160];
	v31 =	vadd.s32 v9, v31  }
0x94: {  	[tilespmem:v28+s12+$0x0] =	vst.idx.add.s32.msk $0xffff, v2  }
0x95: {  	v28 =	vshll.u32 v59, $0x4;
	[tilespmem:v27+s12+$0x0] =	vst.idx.add.s32.msk $0xffff, v2  }
0x96: {  	v28 =	vadd.s32 v9, v28;
	v27 =	vshll.u32 v30, $0x4;
	[tilespmem:v29+s12+$0x0] =	vst.idx.add.s32.msk $0xffff, v2  }
0x97: {  	v27 =	vadd.s32 v9, v27;
	v29 =	vshll.u32 v60, $0x4;
	v30 =	vld [tilespmem:s18+$0x180]  }
0x98: {  	[tilespmem:v31+s12+$0x0] =	vst.idx.add.s32.msk $0xffff, v2;
	v29 =	vadd.s32 v9, v29  }
0x99: {  	v31 =	vshll.u32 v61, $0x4;
	v62 =	vld [tilespmem:s18+$0x190]  }
0x9a: {  	v31 =	vadd.s32 v9, v31;
	v63 =	vld [tilespmem:s18+$0x1A0]  }
0x9b: {  	[tilespmem:v28+s12+$0x0] =	vst.idx.add.s32.msk $0xffff, v2  }
0x9c: {  	[tilespmem:v27+s12+$0x0] =	vst.idx.add.s32.msk $0xffff, v2  }
0x9d: {  	[tilespmem:v29+s12+$0x0] =	vst.idx.add.s32.msk $0xffff, v2  }
0x9e: {  	v28 =	vld [tilespmem:s18+$0x1B0]  }
0x9f: {  	v27 =	vshll.u32 v30, $0x4;
	v29 =	vshll.u32 v62, $0x4;
	[tilespmem:v31+s12+$0x0] =	vst.idx.add.s32.msk $0xffff, v2;
	v30 =	vshll.u32 v63, $0x4  }
0xa0: {  	s19 =	simm.s32 $0x0;
	s20 =	simm.s32 $0x600;
	v27 =	vadd.s32 v10, v27;
	v31 =	vadd.s32 v10, v29;
	v29 =	vld [tilespmem:s18+$0x1C0];
	v32 =	vadd.s32 v10, v30  }
.LBB2_5:
0xa1: {  	v33 =	vld [tilespmem:s20+$0xFFFFFE70];
	s19 =	sadd.s32 $0x8, s19  }
0xa2: {  	v34 =	vld [tilespmem:s20+$0xFFFFFE10];
	p1 =	slt.u32 s19, $0xF0  }
0xa3: {  	v35 =	vld [tilespmem:s20+$0xFFFFFE20]  }
0xa4: {  	v36 =	vld [tilespmem:s20+$0xFFFFFE30];
	v28 =	vshll.u32 v28, $0x4  }
0xa5: {  	v37 =	vld [tilespmem:s20+$0xFFFFFE40];
	v30 =	vadd.s32 v10, v28;
	v28 =	vshll.u32 v29, $0x4  }
0xa6: {  	v38 =	vld [tilespmem:s20+$0xFFFFFE50];
	v33 =	vshll.u32 v33, $0x4;
	v29 =	vadd.s32 v10, v28  }
0xa7: {  	v28 =	vshll.u32 v34, $0x4;
	v34 =	vld [tilespmem:s20+$0xFFFFFE60];
	v33 =	vor.u32 v1, v33  }
0xa8: {  	v39 =	vld [tilespmem:s20+$0xFFFFFE00];
	v28 =	vor.u32 v1, v28;
	v35 =	vshll.u32 v35, $0x4  }
0xa9: {  	v35 =	vor.u32 v1, v35;
	v36 =	vshll.u32 v36, $0x4;
	v40 =	vld [tilespmem:s18+$0x1D0]  }
0xaa: {  	v36 =	vor.u32 v1, v36;
	v37 =	vshll.u32 v37, $0x4;
	v41 =	vld [tilespmem:s18+$0x1E0];
	s18 =	smov.u32 s20  }
0xab: {  	v37 =	vor.u32 v1, v37;
	v38 =	vshll.u32 v38, $0x4;
	[tilespmem:v27+s12+$0x0] =	vst.idx.add.s32.msk $0xffff, v2  }
0xac: {  	v38 =	vor.u32 v1, v38;
	v27 =	vshll.u32 v34, $0x4;
	[tilespmem:v33+s12+$0x0] =	vst.idx.add.s32.msk $0xffff, v2  }
0xad: {  	v33 =	vshll.u32 v39, $0x4;
	v34 =	vor.u32 v1, v27;
	v39 =	vld [tilespmem:s20+$0xFFFFFEF0]  }
0xae: {  	v33 =	vor.u32 v1, v33;
	[tilespmem:v28+s12+$0x0] =	vst.idx.add.s32.msk $0xffff, v2;
	v27 =	vshll.u32 v40, $0x4  }
0xaf: {  	[tilespmem:v35+s12+$0x0] =	vst.idx.add.s32.msk $0xffff, v2;
	v28 =	vadd.s32 v10, v27;
	v27 =	vshll.u32 v41, $0x4  }
0xb0: {  	[tilespmem:v36+s12+$0x0] =	vst.idx.add.s32.msk $0xffff, v2;
	v27 =	vadd.s32 v10, v27  }
0xb1: {  	[tilespmem:v37+s12+$0x0] =	vst.idx.add.s32.msk $0xffff, v2  }
0xb2: {  	[tilespmem:v38+s12+$0x0] =	vst.idx.add.s32.msk $0xffff, v2;
	v35 =	vshll.u32 v39, $0x4  }
0xb3: {  	[tilespmem:v33+s12+$0x0] =	vst.idx.add.s32.msk $0xffff, v2;
	v33 =	vadd.s32 v3, v35  }
0xb4: {  	[tilespmem:v34+s12+$0x0] =	vst.idx.add.s32.msk $0xffff, v2  }
0xb5: {  	v34 =	vld [tilespmem:s20+$0xFFFFFE80]  }
0xb6: {  	v35 =	vld [tilespmem:s20+$0xFFFFFE90]  }
0xb7: {  	v36 =	vld [tilespmem:s20+$0xFFFFFEA0]  }
0xb8: {  	[tilespmem:v33+s12+$0x0] =	vst.idx.add.s32.msk $0xffff, v2  }
0xb9: {  	v33 =	vld [tilespmem:s20+$0xFFFFFF70]  }
0xba: {  	v34 =	vshll.u32 v34, $0x4;
	v37 =	vld [tilespmem:s20+$0xFFFFFEB0]  }
0xbb: {  	v34 =	vadd.s32 v3, v34;
	v35 =	vshll.u32 v35, $0x4;
	v38 =	vld [tilespmem:s20+$0xFFFFFEC0]  }
0xbc: {  	v35 =	vadd.s32 v3, v35;
	v36 =	vshll.u32 v36, $0x4;
	v39 =	vld [tilespmem:s20+$0xFFFFFED0]  }
0xbd: {  	v36 =	vadd.s32 v3, v36;
	v40 =	vld [tilespmem:s20+$0xFFFFFEE0]  }
0xbe: {  	v33 =	vshll.u32 v33, $0x4;
	[tilespmem:v31+s12+$0x0] =	vst.idx.add.s32.msk $0xffff, v2  }
0xbf: {  	v31 =	vshll.u32 v37, $0x4;
	v33 =	vadd.s32 v4, v33;
	[tilespmem:v32+s12+$0x0] =	vst.idx.add.s32.msk $0xffff, v2  }
0xc0: {  	[tilespmem:v34+s12+$0x0] =	vst.idx.add.s32.msk $0xffff, v2;
	v31 =	vadd.s32 v3, v31;
	v32 =	vshll.u32 v38, $0x4  }
0xc1: {  	[tilespmem:v35+s12+$0x0] =	vst.idx.add.s32.msk $0xffff, v2;
	v32 =	vadd.s32 v3, v32;
	v34 =	vshll.u32 v39, $0x4  }
0xc2: {  	[tilespmem:v36+s12+$0x0] =	vst.idx.add.s32.msk $0xffff, v2;
	v34 =	vadd.s32 v3, v34;
	v35 =	vshll.u32 v40, $0x4  }
0xc3: {  	v36 =	vld [tilespmem:s20+$0xFFFFFF00];
	v35 =	vadd.s32 v3, v35  }
0xc4: {  	[tilespmem:v33+s12+$0x0] =	vst.idx.add.s32.msk $0xffff, v2  }
0xc5: {  	v33 =	vld [tilespmem:s20+$0xFFFFFFF0]  }
0xc6: {  	[tilespmem:v31+s12+$0x0] =	vst.idx.add.s32.msk $0xffff, v2  }
0xc7: {  	[tilespmem:v32+s12+$0x0] =	vst.idx.add.s32.msk $0xffff, v2  }
0xc8: {  	v31 =	vshll.u32 v36, $0x4;
	[tilespmem:v34+s12+$0x0] =	vst.idx.add.s32.msk $0xffff, v2  }
0xc9: {  	v31 =	vadd.s32 v4, v31;
	[tilespmem:v35+s12+$0x0] =	vst.idx.add.s32.msk $0xffff, v2  }
0xca: {  	v32 =	vld [tilespmem:s20+$0xFFFFFF10];
	v33 =	vshll.u32 v33, $0x4  }
0xcb: {  	v34 =	vld [tilespmem:s20+$0xFFFFFF20];
	v33 =	vadd.s32 v5, v33  }
0xcc: {  	v35 =	vld [tilespmem:s20+$0xFFFFFF30]  }
0xcd: {  	v36 =	vld [tilespmem:s20+$0xFFFFFF40]  }
0xce: {  	v37 =	vld [tilespmem:s20+$0xFFFFFF50]  }
0xcf: {  	v32 =	vshll.u32 v32, $0x4;
	v38 =	vld [tilespmem:s20+$0xFFFFFF60]  }
0xd0: {  	v32 =	vadd.s32 v4, v32;
	v34 =	vshll.u32 v34, $0x4;
	[tilespmem:v33+s12+$0x0] =	vst.idx.add.s32.msk $0xffff, v2  }
0xd1: {  	v33 =	vadd.s32 v4, v34;
	v34 =	vshll.u32 v35, $0x4;
	v35 =	vld [tilespmem:s20+$0x70]  }
0xd2: {  	[tilespmem:v31+s12+$0x0] =	vst.idx.add.s32.msk $0xffff, v2;
	v31 =	vadd.s32 v4, v34;
	v34 =	vshll.u32 v36, $0x4  }
0xd3: {  	v36 =	vld [tilespmem:s20+$0xFFFFFF80];
	v34 =	vadd.s32 v4, v34;
	v37 =	vshll.u32 v37, $0x4  }
0xd4: {  	v37 =	vadd.s32 v4, v37;
	v38 =	vshll.u32 v38, $0x4;
	[tilespmem:v30+s12+$0x0] =	vst.idx.add.s32.msk $0xffff, v2  }
0xd5: {  	[tilespmem:v32+s12+$0x0] =	vst.idx.add.s32.msk $0xffff, v2;
	v30 =	vadd.s32 v4, v38  }
0xd6: {  	[tilespmem:v33+s12+$0x0] =	vst.idx.add.s32.msk $0xffff, v2;
	v32 =	vshll.u32 v35, $0x4  }
0xd7: {  	[tilespmem:v31+s12+$0x0] =	vst.idx.add.s32.msk $0xffff, v2;
	v31 =	vadd.s32 v6, v32  }
0xd8: {  	v32 =	vshll.u32 v36, $0x4;
	[tilespmem:v34+s12+$0x0] =	vst.idx.add.s32.msk $0xffff, v2  }
0xd9: {  	v32 =	vadd.s32 v5, v32;
	[tilespmem:v37+s12+$0x0] =	vst.idx.add.s32.msk $0xffff, v2  }
0xda: {  	[tilespmem:v30+s12+$0x0] =	vst.idx.add.s32.msk $0xffff, v2  }
0xdb: {  	v30 =	vld [tilespmem:s20+$0xFFFFFF90]  }
0xdc: {  	[tilespmem:v31+s12+$0x0] =	vst.idx.add.s32.msk $0xffff, v2  }
0xdd: {  	v31 =	vld [tilespmem:s20+$0xF0]  }
0xde: {  	v33 =	vld [tilespmem:s20+$0xFFFFFFA0]  }
0xdf: {  	v34 =	vld [tilespmem:s20+$0xFFFFFFB0]  }
0xe0: {  	v30 =	vshll.u32 v30, $0x4;
	v35 =	vld [tilespmem:s20+$0xFFFFFFC0]  }
0xe1: {  	v30 =	vadd.s32 v5, v30;
	v36 =	vld [tilespmem:s20+$0xFFFFFFD0]  }
0xe2: {  	v37 =	vld [tilespmem:s20+$0xFFFFFFE0];
	v31 =	vshll.u32 v31, $0x4  }
0xe3: {  	[tilespmem:v32+s12+$0x0] =	vst.idx.add.s32.msk $0xffff, v2;
	v32 =	vshll.u32 v33, $0x4;
	v31 =	vadd.s32 v7, v31  }
0xe4: {  	v33 =	vld [tilespmem:s20+$0x0];
	v32 =	vadd.s32 v5, v32;
	v34 =	vshll.u32 v34, $0x4  }
0xe5: {  	v34 =	vadd.s32 v5, v34;
	v35 =	vshll.u32 v35, $0x4;
	[tilespmem:v29+s12+$0x0] =	vst.idx.add.s32.msk $0xffff, v2  }
0xe6: {  	[tilespmem:v30+s12+$0x0] =	vst.idx.add.s32.msk $0xffff, v2;
	v29 =	vadd.s32 v5, v35;
	v30 =	vshll.u32 v36, $0x4  }
0xe7: {  	v35 =	vld [tilespmem:s20+$0x10];
	v30 =	vadd.s32 v5, v30;
	v36 =	vshll.u32 v37, $0x4  }
0xe8: {  	v36 =	vadd.s32 v5, v36;
	[tilespmem:v31+s12+$0x0] =	vst.idx.add.s32.msk $0xffff, v2  }
0xe9: {  	v31 =	vshll.u32 v33, $0x4;
	v33 =	vld [tilespmem:s20+$0x170]  }
0xea: {  	v31 =	vadd.s32 v6, v31;
	[tilespmem:v32+s12+$0x0] =	vst.idx.add.s32.msk $0xffff, v2  }
0xeb: {  	[tilespmem:v34+s12+$0x0] =	vst.idx.add.s32.msk $0xffff, v2  }
0xec: {  	v32 =	vshll.u32 v35, $0x4;
	[tilespmem:v29+s12+$0x0] =	vst.idx.add.s32.msk $0xffff, v2  }
0xed: {  	v29 =	vadd.s32 v6, v32;
	[tilespmem:v30+s12+$0x0] =	vst.idx.add.s32.msk $0xffff, v2  }
0xee: {  	[tilespmem:v36+s12+$0x0] =	vst.idx.add.s32.msk $0xffff, v2;
	v30 =	vshll.u32 v33, $0x4  }
0xef: {  	v32 =	vld [tilespmem:s20+$0x20];
	v30 =	vadd.s32 v9, v30  }
0xf0: {  	v33 =	vld [tilespmem:s20+$0x30]  }
0xf1: {  	v34 =	vld [tilespmem:s20+$0x40]  }
0xf2: {  	v35 =	vld [tilespmem:s20+$0x50]  }
0xf3: {  	v36 =	vld [tilespmem:s20+$0x60]  }
0xf4: {  	v32 =	vshll.u32 v32, $0x4;
	[tilespmem:v30+s12+$0x0] =	vst.idx.add.s32.msk $0xffff, v2  }
0xf5: {  	v30 =	vadd.s32 v6, v32;
	v32 =	vshll.u32 v33, $0x4;
	v33 =	vld [tilespmem:s20+$0x1F0]  }
0xf6: {  	[tilespmem:v31+s12+$0x0] =	vst.idx.add.s32.msk $0xffff, v2;
	v31 =	vadd.s32 v6, v32;
	v32 =	vshll.u32 v34, $0x4  }
0xf7: {  	[tilespmem:v29+s12+$0x0] =	vst.idx.add.s32.msk $0xffff, v2;
	v29 =	vadd.s32 v6, v32;
	v32 =	vshll.u32 v35, $0x4  }
0xf8: {  	v34 =	vld [tilespmem:s20+$0x80];
	v32 =	vadd.s32 v6, v32;
	v35 =	vshll.u32 v36, $0x4  }
0xf9: {  	v36 =	vld [tilespmem:s20+$0x90];
	v35 =	vadd.s32 v6, v35  }
0xfa: {  	[tilespmem:v30+s12+$0x0] =	vst.idx.add.s32.msk $0xffff, v2;
	v30 =	vshll.u32 v33, $0x4  }
0xfb: {  	[tilespmem:v31+s12+$0x0] =	vst.idx.add.s32.msk $0xffff, v2;
	v30 =	vadd.s32 v10, v30  }
0xfc: {  	[tilespmem:v29+s12+$0x0] =	vst.idx.add.s32.msk $0xffff, v2  }
0xfd: {  	v29 =	vshll.u32 v34, $0x4;
	[tilespmem:v32+s12+$0x0] =	vst.idx.add.s32.msk $0xffff, v2  }
0xfe: {  	v29 =	vadd.s32 v7, v29;
	v31 =	vshll.u32 v36, $0x4;
	[tilespmem:v35+s12+$0x0] =	vst.idx.add.s32.msk $0xffff, v2  }
0xff: {  	v31 =	vadd.s32 v7, v31;
	v32 =	vld [tilespmem:s20+$0xA0]  }
0x100: {  	[tilespmem:v30+s12+$0x0] =	vst.idx.add.s32.msk $0xffff, v2  }
0x101: {  	v30 =	vld [tilespmem:s20+$0xB0]  }
0x102: {  	v33 =	vld [tilespmem:s20+$0xC0]  }
0x103: {  	v34 =	vld [tilespmem:s20+$0xD0]  }
0x104: {  	v32 =	vshll.u32 v32, $0x4;
	v35 =	vld [tilespmem:s20+$0xE0]  }
0x105: {  	[tilespmem:v29+s12+$0x0] =	vst.idx.add.s32.msk $0xffff, v2;
	v29 =	vadd.s32 v7, v32  }
0x106: {  	[tilespmem:v31+s12+$0x0] =	vst.idx.add.s32.msk $0xffff, v2;
	v30 =	vshll.u32 v30, $0x4  }
0x107: {  	v31 =	vld [tilespmem:s20+$0x100];
	v30 =	vadd.s32 v7, v30;
	v32 =	vshll.u32 v33, $0x4  }
0x108: {  	v33 =	vld [tilespmem:s20+$0x110];
	v32 =	vadd.s32 v7, v32;
	v34 =	vshll.u32 v34, $0x4  }
0x109: {  	v34 =	vadd.s32 v7, v34;
	v35 =	vshll.u32 v35, $0x4;
	[tilespmem:v28+s12+$0x0] =	vst.idx.add.s32.msk $0xffff, v2  }
0x10a: {  	[tilespmem:v29+s12+$0x0] =	vst.idx.add.s32.msk $0xffff, v2;
	v28 =	vadd.s32 v7, v35  }
0x10b: {  	v29 =	vld [tilespmem:s20+$0x120]  }
0x10c: {  	v31 =	vshll.u32 v31, $0x4;
	[tilespmem:v30+s12+$0x0] =	vst.idx.add.s32.msk $0xffff, v2  }
0x10d: {  	v30 =	vadd.s32 v9, v31;
	v31 =	vshll.u32 v33, $0x4;
	[tilespmem:v32+s12+$0x0] =	vst.idx.add.s32.msk $0xffff, v2  }
0x10e: {  	v31 =	vadd.s32 v9, v31;
	[tilespmem:v34+s12+$0x0] =	vst.idx.add.s32.msk $0xffff, v2  }
0x10f: {  	[tilespmem:v28+s12+$0x0] =	vst.idx.add.s32.msk $0xffff, v2  }
0x110: {  	v28 =	vshll.u32 v29, $0x4;
	v29 =	vld [tilespmem:s20+$0x130]  }
0x111: {  	v28 =	vadd.s32 v9, v28;
	v32 =	vld [tilespmem:s20+$0x140]  }
0x112: {  	v33 =	vld [tilespmem:s20+$0x150]  }
0x113: {  	v34 =	vld [tilespmem:s20+$0x160]  }
0x114: {  	[tilespmem:v30+s12+$0x0] =	vst.idx.add.s32.msk $0xffff, v2  }
0x115: {  	[tilespmem:v31+s12+$0x0] =	vst.idx.add.s32.msk $0xffff, v2;
	v29 =	vshll.u32 v29, $0x4  }
0x116: {  	[tilespmem:v28+s12+$0x0] =	vst.idx.add.s32.msk $0xffff, v2;
	v28 =	vadd.s32 v9, v29;
	v29 =	vshll.u32 v32, $0x4  }
0x117: {  	v30 =	vld [tilespmem:s20+$0x180];
	v29 =	vadd.s32 v9, v29;
	v31 =	vshll.u32 v33, $0x4  }
0x118: {  	v32 =	vld [tilespmem:s20+$0x190];
	v31 =	vadd.s32 v9, v31;
	v33 =	vshll.u32 v34, $0x4  }
0x119: {  	v34 =	vld [tilespmem:s20+$0x1A0];
	v33 =	vadd.s32 v9, v33  }
0x11a: {  	[tilespmem:v27+s12+$0x0] =	vst.idx.add.s32.msk $0xffff, v2  }
0x11b: {  	[tilespmem:v28+s12+$0x0] =	vst.idx.add.s32.msk $0xffff, v2  }
.Ltmp1:
0x11c: {  	v27 =	vshll.u32 v30, $0x4;
	[tilespmem:v29+s12+$0x0] =	vst.idx.add.s32.msk $0xffff, v2;
	(pc) =	sbr.rel @p1 .LBB2_5-.Ltmp1, $4  }
0x11d: {  	v27 =	vadd.s32 v10, v27;
	v28 =	vshll.u32 v32, $0x4;
	[tilespmem:v31+s12+$0x0] =	vst.idx.add.s32.msk $0xffff, v2  }
0x11e: {  	v31 =	vadd.s32 v10, v28;
	v28 =	vshll.u32 v34, $0x4;
	[tilespmem:v33+s12+$0x0] =	vst.idx.add.s32.msk $0xffff, v2  }
0x11f: {  	v32 =	vadd.s32 v10, v28;
	v28 =	vld [tilespmem:s20+$0x1B0]  }
0x120: {  	s20 =	sadd.s32 $0x400, s20;
	v29 =	vld [tilespmem:s18+$0x1C0]  }
0x121: {  	v30 =	vld [tilespmem:s18+$0x1D0]  }
0x122: {  	v33 =	vld [tilespmem:s18+$0x1E0];
	_ =	sdelay $0x1  }
0x123: {  	v28 =	vshll.u32 v28, $0x4  }
0x124: {  	v28 =	vadd.s32 v10, v28;
	v29 =	vshll.u32 v29, $0x4  }
0x125: {  	v29 =	vadd.s32 v10, v29;
	v30 =	vshll.u32 v30, $0x4  }
0x126: {  	[tilespmem:v27+s12+$0x0] =	vst.idx.add.s32.msk $0xffff, v2;
	v27 =	vadd.s32 v10, v30;
	v30 =	vshll.u32 v33, $0x4  }
0x127: {  	[tilespmem:v31+s12+$0x0] =	vst.idx.add.s32.msk $0xffff, v2;
	v30 =	vadd.s32 v10, v30  }
0x128: {  	[tilespmem:v32+s12+$0x0] =	vst.idx.add.s32.msk $0xffff, v2  }
0x129: {  	[tilespmem:v28+s12+$0x0] =	vst.idx.add.s32.msk $0xffff, v2  }
0x12a: {  	s18 =	smul.u32 $0x1F00, s17;
	[tilespmem:v29+s12+$0x0] =	vst.idx.add.s32.msk $0xffff, v2  }
0x12b: {  	[tilespmem:v27+s12+$0x0] =	vst.idx.add.s32.msk $0xffff, v2  }
0x12c: {  	s19 =	sadd.s32 s18, s5;
	[tilespmem:v30+s12+$0x0] =	vst.idx.add.s32.msk $0xffff, v2  }
0x12d: {  	[tilespmem:s2], [sflag:$0x1] =	stream.linear.gather [hbm4b:s19+s2], $0x7C00, $0x38;
	[tilespmem:$0x18000] =	vst v63  }
0x12e: {  	_ =	swait.ge [sflag:s13], $0x7C00  }
0x12f: {  	[sflag:s13] =	ssyncset.done $0x0  }
0x130: {  	s19 =	simm.s32 $0x7E00;
	[sflag:s13] =	ssyncadd.s32 $0xFFFF8400  }
0x131: {  	v27 =	vld [tilespmem:s19+$0xFFFFFE70];
	_ =	sdelay $0x3  }
0x132: {  	v28 =	vld [tilespmem:s19+$0xFFFFFE10]  }
0x133: {  	v30 =	vld [tilespmem:s19+$0xFFFFFE30];
	v27 =	vshll.u32 v27, $0x4  }
0x134: {  	v29 =	vld [tilespmem:s19+$0xFFFFFE20];
	v27 =	vor.u32 v1, v27;
	_ =	sdelay $0x1  }
0x135: {  	v31 =	vld [tilespmem:s19+$0xFFFFFE00];
	_ =	sdelay $0x1  }
0x136: {  	v28 =	vshll.u32 v28, $0x4;
	v30 =	vshll.u32 v30, $0x4  }
0x137: {  	v30 =	vor.u32 v1, v30;
	[tilespmem:v27+s12+$0x0] =	vst.idx.add.s32.msk $0xffff, v2;
	v27 =	vor.u32 v1, v28;
	v28 =	vshll.u32 v29, $0x4  }
0x138: {  	v60 =	vld [tilespmem:s19+$0xFFFFFE40];
	v28 =	vor.u32 v1, v28  }
0x139: {  	v31 =	vshll.u32 v31, $0x4;
	v29 =	vld [tilespmem:s19+$0xFFFFFEF0]  }
0x13a: {  	v61 =	vld [tilespmem:s19+$0xFFFFFE50];
	v31 =	vor.u32 v1, v31  }
0x13b: {  	v34 =	vld [tilespmem:s19+$0xFFFFFE60]  }
0x13c: {  	[tilespmem:v30+s12+$0x0] =	vst.idx.add.s32.msk $0xffff, v2  }
0x13d: {  	[tilespmem:v28+s12+$0x0] =	vst.idx.add.s32.msk $0xffff, v2;
	v28 =	vshll.u32 v60, $0x4  }
0x13e: {  	[tilespmem:v27+s12+$0x0] =	vst.idx.add.s32.msk $0xffff, v2;
	v27 =	vshll.u32 v29, $0x4;
	v28 =	vor.u32 v1, v28  }
0x13f: {  	[tilespmem:v31+s12+$0x0] =	vst.idx.add.s32.msk $0xffff, v2;
	v27 =	vadd.s32 v3, v27  }
0x140: {  	v29 =	vshll.u32 v61, $0x4;
	v31 =	vld [tilespmem:s19+$0xFFFFFE90]  }
0x141: {  	v30 =	vld [tilespmem:s19+$0xFFFFFE80];
	v29 =	vor.u32 v1, v29  }
0x142: {  	v62 =	vshll.u32 v34, $0x4;
	v63 =	vld [tilespmem:s19+$0xFFFFFEA0]  }
0x143: {  	[tilespmem:v28+s12+$0x0] =	vst.idx.add.s32.msk $0xffff, v2;
	v28 =	vor.u32 v1, v62  }
0x144: {  	[tilespmem:v27+s12+$0x0] =	vst.idx.add.s32.msk $0xffff, v2  }
0x145: {  	v31 =	vshll.u32 v31, $0x4;
	v27 =	vld [tilespmem:s19+$0xFFFFFF70]  }
0x146: {  	[tilespmem:v29+s12+$0x0] =	vst.idx.add.s32.msk $0xffff, v2;
	v31 =	vadd.s32 v3, v31  }
0x147: {  	v29 =	vshll.u32 v30, $0x4;
	v30 =	vld [tilespmem:s19+$0xFFFFFEB0]  }
0x148: {  	v29 =	vadd.s32 v3, v29;
	[tilespmem:v28+s12+$0x0] =	vst.idx.add.s32.msk $0xffff, v2;
	v28 =	vshll.u32 v63, $0x4  }
0x149: {  	v36 =	vld [tilespmem:s19+$0xFFFFFEC0];
	v28 =	vadd.s32 v3, v28  }
0x14a: {  	v37 =	vld [tilespmem:s19+$0xFFFFFED0];
	v27 =	vshll.u32 v27, $0x4  }
0x14b: {  	[tilespmem:v31+s12+$0x0] =	vst.idx.add.s32.msk $0xffff, v2;
	v27 =	vadd.s32 v4, v27  }
0x14c: {  	v38 =	vld [tilespmem:s19+$0xFFFFFEE0]  }
0x14d: {  	v30 =	vshll.u32 v30, $0x4;
	[tilespmem:v29+s12+$0x0] =	vst.idx.add.s32.msk $0xffff, v2  }
0x14e: {  	v29 =	vadd.s32 v3, v30;
	v30 =	vshll.u32 v36, $0x4;
	[tilespmem:v28+s12+$0x0] =	vst.idx.add.s32.msk $0xffff, v2  }
0x14f: {  	v30 =	vadd.s32 v3, v30;
	v28 =	vld [tilespmem:s19+$0xFFFFFF00]  }
0x150: {  	v31 =	vshll.u32 v37, $0x4;
	[tilespmem:v27+s12+$0x0] =	vst.idx.add.s32.msk $0xffff, v2  }
0x151: {  	v27 =	vadd.s32 v3, v31;
	v31 =	vld [tilespmem:s19+$0xFFFFFFF0];
	_ =	sdelay $0x1  }
0x152: {  	[tilespmem:v29+s12+$0x0] =	vst.idx.add.s32.msk $0xffff, v2  }
0x153: {  	[tilespmem:v30+s12+$0x0] =	vst.idx.add.s32.msk $0xffff, v2;
	v30 =	vshll.u32 v38, $0x4  }
0x154: {  	v30 =	vadd.s32 v3, v30;
	v40 =	vld [tilespmem:s19+$0xFFFFFF40];
	v28 =	vshll.u32 v28, $0x4  }
0x155: {  	[tilespmem:v27+s12+$0x0] =	vst.idx.add.s32.msk $0xffff, v2;
	v28 =	vadd.s32 v4, v28;
	v27 =	vshll.u32 v31, $0x4  }
0x156: {  	v29 =	vld [tilespmem:s19+$0xFFFFFF10];
	v27 =	vadd.s32 v5, v27  }
0x157: {  	v31 =	vld [tilespmem:s19+$0xFFFFFF20]  }
0x158: {  	v39 =	vld [tilespmem:s19+$0xFFFFFF30]  }
0x159: {  	[tilespmem:v30+s12+$0x0] =	vst.idx.add.s32.msk $0xffff, v2  }
0x15a: {  	v33 =	vshll.u32 v40, $0x4;
	[tilespmem:v28+s12+$0x0] =	vst.idx.add.s32.msk $0xffff, v2  }
0x15b: {  	v29 =	vshll.u32 v29, $0x4;
	v28 =	vadd.s32 v4, v33;
	[tilespmem:v27+s12+$0x0] =	vst.idx.add.s32.msk $0xffff, v2  }
0x15c: {  	v27 =	vadd.s32 v4, v29;
	v29 =	vshll.u32 v31, $0x4;
	v31 =	vld [tilespmem:s19+$0x70]  }
0x15d: {  	v42 =	vld [tilespmem:s19+$0xFFFFFF60];
	v29 =	vadd.s32 v4, v29  }
0x15e: {  	v41 =	vld [tilespmem:s19+$0xFFFFFF50];
	v30 =	vshll.u32 v39, $0x4  }
0x15f: {  	v30 =	vadd.s32 v4, v30;
	v44 =	vld [tilespmem:s19+$0xFFFFFF80]  }
0x160: {  	[tilespmem:v28+s12+$0x0] =	vst.idx.add.s32.msk $0xffff, v2  }
0x161: {  	[tilespmem:v27+s12+$0x0] =	vst.idx.add.s32.msk $0xffff, v2;
	v27 =	vshll.u32 v31, $0x4  }
0x162: {  	[tilespmem:v29+s12+$0x0] =	vst.idx.add.s32.msk $0xffff, v2;
	v29 =	vshll.u32 v42, $0x4;
	v27 =	vadd.s32 v6, v27  }
0x163: {  	v28 =	vld [tilespmem:s19+$0xFFFFFF90];
	v29 =	vadd.s32 v4, v29  }
0x164: {  	[tilespmem:v30+s12+$0x0] =	vst.idx.add.s32.msk $0xffff, v2  }
0x165: {  	v45 =	vld [tilespmem:s19+$0xFFFFFFC0]  }
0x166: {  	v43 =	vshll.u32 v41, $0x4;
	v31 =	vld [tilespmem:s19+$0xFFFFFFB0]  }
0x167: {  	v33 =	vadd.s32 v4, v43;
	v30 =	vshll.u32 v44, $0x4;
	[tilespmem:v27+s12+$0x0] =	vst.idx.add.s32.msk $0xffff, v2  }
0x168: {  	v28 =	vshll.u32 v28, $0x4;
	[tilespmem:v29+s12+$0x0] =	vst.idx.add.s32.msk $0xffff, v2;
	v29 =	vadd.s32 v5, v30  }
0x169: {  	v30 =	vld [tilespmem:s19+$0xFFFFFFA0];
	v28 =	vadd.s32 v5, v28  }
0x16a: {  	v27 =	vld [tilespmem:s19+$0xF0]  }
0x16b: {  	v31 =	vshll.u32 v31, $0x4  }
0x16c: {  	[tilespmem:v33+s12+$0x0] =	vst.idx.add.s32.msk $0xffff, v2;
	v31 =	vadd.s32 v5, v31  }
0x16d: {  	v32 =	vshll.u32 v45, $0x4;
	[tilespmem:v29+s12+$0x0] =	vst.idx.add.s32.msk $0xffff, v2  }
0x16e: {  	v29 =	vshll.u32 v30, $0x4;
	[tilespmem:v28+s12+$0x0] =	vst.idx.add.s32.msk $0xffff, v2;
	v28 =	vadd.s32 v5, v32  }
0x16f: {  	v33 =	vld [tilespmem:s19+$0xFFFFFFD0];
	v27 =	vshll.u32 v27, $0x4;
	v29 =	vadd.s32 v5, v29  }
0x170: {  	v46 =	vld [tilespmem:s19+$0xFFFFFFE0];
	v27 =	vadd.s32 v7, v27  }
0x171: {  	[tilespmem:v31+s12+$0x0] =	vst.idx.add.s32.msk $0xffff, v2  }
0x172: {  	v30 =	vld [tilespmem:s19+$0x0]  }
0x173: {  	[tilespmem:v28+s12+$0x0] =	vst.idx.add.s32.msk $0xffff, v2  }
0x174: {  	[tilespmem:v29+s12+$0x0] =	vst.idx.add.s32.msk $0xffff, v2  }
0x175: {  	v29 =	vshll.u32 v46, $0x4;
	[tilespmem:v27+s12+$0x0] =	vst.idx.add.s32.msk $0xffff, v2  }
0x176: {  	v28 =	vadd.s32 v5, v29;
	v27 =	vld [tilespmem:s19+$0x170]  }
0x177: {  	v47 =	vshll.u32 v33, $0x4;
	v48 =	vld [tilespmem:s19+$0x10]  }
0x178: {  	v32 =	vadd.s32 v5, v47;
	v31 =	vld [tilespmem:s19+$0x30]  }
0x179: {  	v30 =	vshll.u32 v30, $0x4;
	v50 =	vld [tilespmem:s19+$0x40]  }
0x17a: {  	v29 =	vld [tilespmem:s19+$0x20];
	v30 =	vadd.s32 v6, v30  }
0x17b: {  	[tilespmem:v28+s12+$0x0] =	vst.idx.add.s32.msk $0xffff, v2;
	v27 =	vshll.u32 v27, $0x4  }
0x17c: {  	v49 =	vshll.u32 v48, $0x4;
	v28 =	vld [tilespmem:s19+$0x60];
	v27 =	vadd.s32 v9, v27  }
0x17d: {  	[tilespmem:v32+s12+$0x0] =	vst.idx.add.s32.msk $0xffff, v2;
	v32 =	vadd.s32 v6, v49  }
0x17e: {  	v51 =	vld [tilespmem:s19+$0x50]  }
0x17f: {  	[tilespmem:v30+s12+$0x0] =	vst.idx.add.s32.msk $0xffff, v2;
	v30 =	vshll.u32 v50, $0x4  }
0x180: {  	v29 =	vshll.u32 v29, $0x4;
	v30 =	vadd.s32 v6, v30  }
0x181: {  	v28 =	vshll.u32 v28, $0x4;
	[tilespmem:v27+s12+$0x0] =	vst.idx.add.s32.msk $0xffff, v2;
	v27 =	vadd.s32 v6, v29  }
0x182: {  	[tilespmem:v32+s12+$0x0] =	vst.idx.add.s32.msk $0xffff, v2;
	v29 =	vshll.u32 v31, $0x4;
	v28 =	vadd.s32 v6, v28  }
0x183: {  	v52 =	vld [tilespmem:s19+$0x80];
	v29 =	vadd.s32 v6, v29  }
0x184: {  	v53 =	vld [tilespmem:s19+$0x90];
	v31 =	vshll.u32 v51, $0x4  }
0x185: {  	[tilespmem:v30+s12+$0x0] =	vst.idx.add.s32.msk $0xffff, v2;
	v31 =	vadd.s32 v6, v31  }
0x186: {  	[tilespmem:v27+s12+$0x0] =	vst.idx.add.s32.msk $0xffff, v2  }
0x187: {  	[tilespmem:v28+s12+$0x0] =	vst.idx.add.s32.msk $0xffff, v2  }
0x188: {  	[tilespmem:v29+s12+$0x0] =	vst.idx.add.s32.msk $0xffff, v2  }
0x189: {  	v27 =	vld [tilespmem:s19+$0xA0]  }
0x18a: {  	[tilespmem:v31+s12+$0x0] =	vst.idx.add.s32.msk $0xffff, v2;
	v29 =	vshll.u32 v52, $0x4  }
0x18b: {  	v28 =	vadd.s32 v7, v29;
	v29 =	vshll.u32 v53, $0x4;
	v30 =	vld [tilespmem:s19+$0xB0]  }
0x18c: {  	v31 =	vld [tilespmem:s19+$0xC0];
	v29 =	vadd.s32 v7, v29  }
0x18d: {  	v54 =	vld [tilespmem:s19+$0xD0]  }
0x18e: {  	v56 =	vld [tilespmem:s19+$0x1F0];
	v27 =	vshll.u32 v27, $0x4  }
0x18f: {  	v55 =	vld [tilespmem:s19+$0xE0];
	v27 =	vadd.s32 v7, v27  }
0x190: {  	[tilespmem:v28+s12+$0x0] =	vst.idx.add.s32.msk $0xffff, v2;
	v28 =	vshll.u32 v30, $0x4  }
0x191: {  	[tilespmem:v29+s12+$0x0] =	vst.idx.add.s32.msk $0xffff, v2;
	v28 =	vadd.s32 v7, v28;
	v29 =	vshll.u32 v31, $0x4  }
0x192: {  	v30 =	vld [tilespmem:s19+$0x100];
	v31 =	vshll.u32 v54, $0x4;
	v29 =	vadd.s32 v7, v29  }
0x193: {  	v57 =	vld [tilespmem:s19+$0x110];
	v31 =	vadd.s32 v7, v31  }
0x194: {  	v33 =	vshll.u32 v55, $0x4;
	[tilespmem:v27+s12+$0x0] =	vst.idx.add.s32.msk $0xffff, v2  }
0x195: {  	v27 =	vadd.s32 v7, v33;
	v58 =	vld [tilespmem:s19+$0x120]  }
0x196: {  	[tilespmem:v28+s12+$0x0] =	vst.idx.add.s32.msk $0xffff, v2  }
0x197: {  	[tilespmem:v29+s12+$0x0] =	vst.idx.add.s32.msk $0xffff, v2  }
0x198: {  	v28 =	vshll.u32 v56, $0x4;
	[tilespmem:v31+s12+$0x0] =	vst.idx.add.s32.msk $0xffff, v2  }
0x199: {  	v28 =	vadd.s32 v10, v28;
	v29 =	vshll.u32 v30, $0x4;
	v59 =	vld [tilespmem:s19+$0x140]  }
0x19a: {  	[tilespmem:v27+s12+$0x0] =	vst.idx.add.s32.msk $0xffff, v2;
	v27 =	vadd.s32 v9, v29;
	v29 =	vshll.u32 v57, $0x4  }
0x19b: {  	v30 =	vld [tilespmem:s19+$0x130];
	v29 =	vadd.s32 v9, v29  }
0x19c: {  	v60 =	vld [tilespmem:s19+$0x150];
	v31 =	vshll.u32 v58, $0x4  }
0x19d: {  	v61 =	vld [tilespmem:s19+$0x160];
	v31 =	vadd.s32 v9, v31  }
0x19e: {  	[tilespmem:v28+s12+$0x0] =	vst.idx.add.s32.msk $0xffff, v2  }
0x19f: {  	v28 =	vshll.u32 v59, $0x4;
	[tilespmem:v27+s12+$0x0] =	vst.idx.add.s32.msk $0xffff, v2  }
0x1a0: {  	v28 =	vadd.s32 v9, v28;
	v27 =	vshll.u32 v30, $0x4;
	[tilespmem:v29+s12+$0x0] =	vst.idx.add.s32.msk $0xffff, v2  }
0x1a1: {  	v27 =	vadd.s32 v9, v27;
	v29 =	vshll.u32 v60, $0x4;
	v30 =	vld [tilespmem:s19+$0x180]  }
0x1a2: {  	[tilespmem:v31+s12+$0x0] =	vst.idx.add.s32.msk $0xffff, v2;
	v29 =	vadd.s32 v9, v29  }
0x1a3: {  	v31 =	vshll.u32 v61, $0x4;
	v62 =	vld [tilespmem:s19+$0x190]  }
0x1a4: {  	v31 =	vadd.s32 v9, v31;
	v63 =	vld [tilespmem:s19+$0x1A0]  }
0x1a5: {  	[tilespmem:v28+s12+$0x0] =	vst.idx.add.s32.msk $0xffff, v2  }
0x1a6: {  	[tilespmem:v27+s12+$0x0] =	vst.idx.add.s32.msk $0xffff, v2  }
0x1a7: {  	[tilespmem:v29+s12+$0x0] =	vst.idx.add.s32.msk $0xffff, v2  }
0x1a8: {  	v28 =	vld [tilespmem:s19+$0x1B0]  }
0x1a9: {  	v27 =	vshll.u32 v30, $0x4;
	v29 =	vshll.u32 v62, $0x4;
	[tilespmem:v31+s12+$0x0] =	vst.idx.add.s32.msk $0xffff, v2;
	v30 =	vshll.u32 v63, $0x4  }
0x1aa: {  	s20 =	simm.s32 $0x0;
	s21 =	simm.s32 $0x8200;
	v27 =	vadd.s32 v10, v27;
	v31 =	vadd.s32 v10, v29;
	v29 =	vld [tilespmem:s19+$0x1C0];
	v32 =	vadd.s32 v10, v30  }
.LBB2_7:
0x1ab: {  	v33 =	vld [tilespmem:s21+$0xFFFFFE70];
	s20 =	sadd.s32 $0x8, s20  }
0x1ac: {  	v34 =	vld [tilespmem:s21+$0xFFFFFE10];
	p1 =	slt.u32 s20, $0xF0  }
0x1ad: {  	v35 =	vld [tilespmem:s21+$0xFFFFFE20]  }
0x1ae: {  	v36 =	vld [tilespmem:s21+$0xFFFFFE30];
	v28 =	vshll.u32 v28, $0x4  }
0x1af: {  	v37 =	vld [tilespmem:s21+$0xFFFFFE40];
	v30 =	vadd.s32 v10, v28;
	v28 =	vshll.u32 v29, $0x4  }
0x1b0: {  	v38 =	vld [tilespmem:s21+$0xFFFFFE50];
	v33 =	vshll.u32 v33, $0x4;
	v29 =	vadd.s32 v10, v28  }
0x1b1: {  	v28 =	vshll.u32 v34, $0x4;
	v34 =	vld [tilespmem:s21+$0xFFFFFE60];
	v33 =	vor.u32 v1, v33  }
0x1b2: {  	v39 =	vld [tilespmem:s21+$0xFFFFFE00];
	v28 =	vor.u32 v1, v28;
	v35 =	vshll.u32 v35, $0x4  }
0x1b3: {  	v35 =	vor.u32 v1, v35;
	v36 =	vshll.u32 v36, $0x4;
	v40 =	vld [tilespmem:s19+$0x1D0]  }
0x1b4: {  	v36 =	vor.u32 v1, v36;
	v37 =	vshll.u32 v37, $0x4;
	v41 =	vld [tilespmem:s19+$0x1E0];
	s19 =	smov.u32 s21  }
0x1b5: {  	v37 =	vor.u32 v1, v37;
	v38 =	vshll.u32 v38, $0x4;
	[tilespmem:v27+s12+$0x0] =	vst.idx.add.s32.msk $0xffff, v2  }
0x1b6: {  	v38 =	vor.u32 v1, v38;
	v27 =	vshll.u32 v34, $0x4;
	[tilespmem:v33+s12+$0x0] =	vst.idx.add.s32.msk $0xffff, v2  }
0x1b7: {  	v33 =	vshll.u32 v39, $0x4;
	v34 =	vor.u32 v1, v27;
	v39 =	vld [tilespmem:s21+$0xFFFFFEF0]  }
0x1b8: {  	v33 =	vor.u32 v1, v33;
	[tilespmem:v28+s12+$0x0] =	vst.idx.add.s32.msk $0xffff, v2;
	v27 =	vshll.u32 v40, $0x4  }
0x1b9: {  	[tilespmem:v35+s12+$0x0] =	vst.idx.add.s32.msk $0xffff, v2;
	v28 =	vadd.s32 v10, v27;
	v27 =	vshll.u32 v41, $0x4  }
0x1ba: {  	[tilespmem:v36+s12+$0x0] =	vst.idx.add.s32.msk $0xffff, v2;
	v27 =	vadd.s32 v10, v27  }
0x1bb: {  	[tilespmem:v37+s12+$0x0] =	vst.idx.add.s32.msk $0xffff, v2  }
0x1bc: {  	[tilespmem:v38+s12+$0x0] =	vst.idx.add.s32.msk $0xffff, v2;
	v35 =	vshll.u32 v39, $0x4  }
0x1bd: {  	[tilespmem:v33+s12+$0x0] =	vst.idx.add.s32.msk $0xffff, v2;
	v33 =	vadd.s32 v3, v35  }
0x1be: {  	[tilespmem:v34+s12+$0x0] =	vst.idx.add.s32.msk $0xffff, v2  }
0x1bf: {  	v34 =	vld [tilespmem:s21+$0xFFFFFE80]  }
0x1c0: {  	v35 =	vld [tilespmem:s21+$0xFFFFFE90]  }
0x1c1: {  	v36 =	vld [tilespmem:s21+$0xFFFFFEA0]  }
0x1c2: {  	[tilespmem:v33+s12+$0x0] =	vst.idx.add.s32.msk $0xffff, v2  }
0x1c3: {  	v33 =	vld [tilespmem:s21+$0xFFFFFF70]  }
0x1c4: {  	v34 =	vshll.u32 v34, $0x4;
	v37 =	vld [tilespmem:s21+$0xFFFFFEB0]  }
0x1c5: {  	v34 =	vadd.s32 v3, v34;
	v35 =	vshll.u32 v35, $0x4;
	v38 =	vld [tilespmem:s21+$0xFFFFFEC0]  }
0x1c6: {  	v35 =	vadd.s32 v3, v35;
	v36 =	vshll.u32 v36, $0x4;
	v39 =	vld [tilespmem:s21+$0xFFFFFED0]  }
0x1c7: {  	v36 =	vadd.s32 v3, v36;
	v40 =	vld [tilespmem:s21+$0xFFFFFEE0]  }
0x1c8: {  	v33 =	vshll.u32 v33, $0x4;
	[tilespmem:v31+s12+$0x0] =	vst.idx.add.s32.msk $0xffff, v2  }
0x1c9: {  	v31 =	vshll.u32 v37, $0x4;
	v33 =	vadd.s32 v4, v33;
	[tilespmem:v32+s12+$0x0] =	vst.idx.add.s32.msk $0xffff, v2  }
0x1ca: {  	[tilespmem:v34+s12+$0x0] =	vst.idx.add.s32.msk $0xffff, v2;
	v31 =	vadd.s32 v3, v31;
	v32 =	vshll.u32 v38, $0x4  }
0x1cb: {  	[tilespmem:v35+s12+$0x0] =	vst.idx.add.s32.msk $0xffff, v2;
	v32 =	vadd.s32 v3, v32;
	v34 =	vshll.u32 v39, $0x4  }
0x1cc: {  	[tilespmem:v36+s12+$0x0] =	vst.idx.add.s32.msk $0xffff, v2;
	v34 =	vadd.s32 v3, v34;
	v35 =	vshll.u32 v40, $0x4  }
0x1cd: {  	v36 =	vld [tilespmem:s21+$0xFFFFFF00];
	v35 =	vadd.s32 v3, v35  }
0x1ce: {  	[tilespmem:v33+s12+$0x0] =	vst.idx.add.s32.msk $0xffff, v2  }
0x1cf: {  	v33 =	vld [tilespmem:s21+$0xFFFFFFF0]  }
0x1d0: {  	[tilespmem:v31+s12+$0x0] =	vst.idx.add.s32.msk $0xffff, v2  }
0x1d1: {  	[tilespmem:v32+s12+$0x0] =	vst.idx.add.s32.msk $0xffff, v2  }
0x1d2: {  	v31 =	vshll.u32 v36, $0x4;
	[tilespmem:v34+s12+$0x0] =	vst.idx.add.s32.msk $0xffff, v2  }
0x1d3: {  	v31 =	vadd.s32 v4, v31;
	[tilespmem:v35+s12+$0x0] =	vst.idx.add.s32.msk $0xffff, v2  }
0x1d4: {  	v32 =	vld [tilespmem:s21+$0xFFFFFF10];
	v33 =	vshll.u32 v33, $0x4  }
0x1d5: {  	v34 =	vld [tilespmem:s21+$0xFFFFFF20];
	v33 =	vadd.s32 v5, v33  }
0x1d6: {  	v35 =	vld [tilespmem:s21+$0xFFFFFF30]  }
0x1d7: {  	v36 =	vld [tilespmem:s21+$0xFFFFFF40]  }
0x1d8: {  	v37 =	vld [tilespmem:s21+$0xFFFFFF50]  }
0x1d9: {  	v32 =	vshll.u32 v32, $0x4;
	v38 =	vld [tilespmem:s21+$0xFFFFFF60]  }
0x1da: {  	v32 =	vadd.s32 v4, v32;
	v34 =	vshll.u32 v34, $0x4;
	[tilespmem:v33+s12+$0x0] =	vst.idx.add.s32.msk $0xffff, v2  }
0x1db: {  	v33 =	vadd.s32 v4, v34;
	v34 =	vshll.u32 v35, $0x4;
	v35 =	vld [tilespmem:s21+$0x70]  }
0x1dc: {  	[tilespmem:v31+s12+$0x0] =	vst.idx.add.s32.msk $0xffff, v2;
	v31 =	vadd.s32 v4, v34;
	v34 =	vshll.u32 v36, $0x4  }
0x1dd: {  	v36 =	vld [tilespmem:s21+$0xFFFFFF80];
	v34 =	vadd.s32 v4, v34;
	v37 =	vshll.u32 v37, $0x4  }
0x1de: {  	v37 =	vadd.s32 v4, v37;
	v38 =	vshll.u32 v38, $0x4;
	[tilespmem:v30+s12+$0x0] =	vst.idx.add.s32.msk $0xffff, v2  }
0x1df: {  	[tilespmem:v32+s12+$0x0] =	vst.idx.add.s32.msk $0xffff, v2;
	v30 =	vadd.s32 v4, v38  }
0x1e0: {  	[tilespmem:v33+s12+$0x0] =	vst.idx.add.s32.msk $0xffff, v2;
	v32 =	vshll.u32 v35, $0x4  }
0x1e1: {  	[tilespmem:v31+s12+$0x0] =	vst.idx.add.s32.msk $0xffff, v2;
	v31 =	vadd.s32 v6, v32  }
0x1e2: {  	v32 =	vshll.u32 v36, $0x4;
	[tilespmem:v34+s12+$0x0] =	vst.idx.add.s32.msk $0xffff, v2  }
0x1e3: {  	v32 =	vadd.s32 v5, v32;
	[tilespmem:v37+s12+$0x0] =	vst.idx.add.s32.msk $0xffff, v2  }
0x1e4: {  	[tilespmem:v30+s12+$0x0] =	vst.idx.add.s32.msk $0xffff, v2  }
0x1e5: {  	v30 =	vld [tilespmem:s21+$0xFFFFFF90]  }
0x1e6: {  	[tilespmem:v31+s12+$0x0] =	vst.idx.add.s32.msk $0xffff, v2  }
0x1e7: {  	v31 =	vld [tilespmem:s21+$0xF0]  }
0x1e8: {  	v33 =	vld [tilespmem:s21+$0xFFFFFFA0]  }
0x1e9: {  	v34 =	vld [tilespmem:s21+$0xFFFFFFB0]  }
0x1ea: {  	v30 =	vshll.u32 v30, $0x4;
	v35 =	vld [tilespmem:s21+$0xFFFFFFC0]  }
0x1eb: {  	v30 =	vadd.s32 v5, v30;
	v36 =	vld [tilespmem:s21+$0xFFFFFFD0]  }
0x1ec: {  	v37 =	vld [tilespmem:s21+$0xFFFFFFE0];
	v31 =	vshll.u32 v31, $0x4  }
0x1ed: {  	[tilespmem:v32+s12+$0x0] =	vst.idx.add.s32.msk $0xffff, v2;
	v32 =	vshll.u32 v33, $0x4;
	v31 =	vadd.s32 v7, v31  }
0x1ee: {  	v33 =	vld [tilespmem:s21+$0x0];
	v32 =	vadd.s32 v5, v32;
	v34 =	vshll.u32 v34, $0x4  }
0x1ef: {  	v34 =	vadd.s32 v5, v34;
	v35 =	vshll.u32 v35, $0x4;
	[tilespmem:v29+s12+$0x0] =	vst.idx.add.s32.msk $0xffff, v2  }
0x1f0: {  	[tilespmem:v30+s12+$0x0] =	vst.idx.add.s32.msk $0xffff, v2;
	v29 =	vadd.s32 v5, v35;
	v30 =	vshll.u32 v36, $0x4  }
0x1f1: {  	v35 =	vld [tilespmem:s21+$0x10];
	v30 =	vadd.s32 v5, v30;
	v36 =	vshll.u32 v37, $0x4  }
0x1f2: {  	v36 =	vadd.s32 v5, v36;
	[tilespmem:v31+s12+$0x0] =	vst.idx.add.s32.msk $0xffff, v2  }
0x1f3: {  	v31 =	vshll.u32 v33, $0x4;
	v33 =	vld [tilespmem:s21+$0x170]  }
0x1f4: {  	v31 =	vadd.s32 v6, v31;
	[tilespmem:v32+s12+$0x0] =	vst.idx.add.s32.msk $0xffff, v2  }
0x1f5: {  	[tilespmem:v34+s12+$0x0] =	vst.idx.add.s32.msk $0xffff, v2  }
0x1f6: {  	v32 =	vshll.u32 v35, $0x4;
	[tilespmem:v29+s12+$0x0] =	vst.idx.add.s32.msk $0xffff, v2  }
0x1f7: {  	v29 =	vadd.s32 v6, v32;
	[tilespmem:v30+s12+$0x0] =	vst.idx.add.s32.msk $0xffff, v2  }
0x1f8: {  	[tilespmem:v36+s12+$0x0] =	vst.idx.add.s32.msk $0xffff, v2;
	v30 =	vshll.u32 v33, $0x4  }
0x1f9: {  	v32 =	vld [tilespmem:s21+$0x20];
	v30 =	vadd.s32 v9, v30  }
0x1fa: {  	v33 =	vld [tilespmem:s21+$0x30]  }
0x1fb: {  	v34 =	vld [tilespmem:s21+$0x40]  }
0x1fc: {  	v35 =	vld [tilespmem:s21+$0x50]  }
0x1fd: {  	v36 =	vld [tilespmem:s21+$0x60]  }
0x1fe: {  	v32 =	vshll.u32 v32, $0x4;
	[tilespmem:v30+s12+$0x0] =	vst.idx.add.s32.msk $0xffff, v2  }
0x1ff: {  	v30 =	vadd.s32 v6, v32;
	v32 =	vshll.u32 v33, $0x4;
	v33 =	vld [tilespmem:s21+$0x1F0]  }
0x200: {  	[tilespmem:v31+s12+$0x0] =	vst.idx.add.s32.msk $0xffff, v2;
	v31 =	vadd.s32 v6, v32;
	v32 =	vshll.u32 v34, $0x4  }
0x201: {  	[tilespmem:v29+s12+$0x0] =	vst.idx.add.s32.msk $0xffff, v2;
	v29 =	vadd.s32 v6, v32;
	v32 =	vshll.u32 v35, $0x4  }
0x202: {  	v34 =	vld [tilespmem:s21+$0x80];
	v32 =	vadd.s32 v6, v32;
	v35 =	vshll.u32 v36, $0x4  }
0x203: {  	v36 =	vld [tilespmem:s21+$0x90];
	v35 =	vadd.s32 v6, v35  }
0x204: {  	[tilespmem:v30+s12+$0x0] =	vst.idx.add.s32.msk $0xffff, v2;
	v30 =	vshll.u32 v33, $0x4  }
0x205: {  	[tilespmem:v31+s12+$0x0] =	vst.idx.add.s32.msk $0xffff, v2;
	v30 =	vadd.s32 v10, v30  }
0x206: {  	[tilespmem:v29+s12+$0x0] =	vst.idx.add.s32.msk $0xffff, v2  }
0x207: {  	v29 =	vshll.u32 v34, $0x4;
	[tilespmem:v32+s12+$0x0] =	vst.idx.add.s32.msk $0xffff, v2  }
0x208: {  	v29 =	vadd.s32 v7, v29;
	v31 =	vshll.u32 v36, $0x4;
	[tilespmem:v35+s12+$0x0] =	vst.idx.add.s32.msk $0xffff, v2  }
0x209: {  	v31 =	vadd.s32 v7, v31;
	v32 =	vld [tilespmem:s21+$0xA0]  }
0x20a: {  	[tilespmem:v30+s12+$0x0] =	vst.idx.add.s32.msk $0xffff, v2  }
0x20b: {  	v30 =	vld [tilespmem:s21+$0xB0]  }
0x20c: {  	v33 =	vld [tilespmem:s21+$0xC0]  }
0x20d: {  	v34 =	vld [tilespmem:s21+$0xD0]  }
0x20e: {  	v32 =	vshll.u32 v32, $0x4;
	v35 =	vld [tilespmem:s21+$0xE0]  }
0x20f: {  	[tilespmem:v29+s12+$0x0] =	vst.idx.add.s32.msk $0xffff, v2;
	v29 =	vadd.s32 v7, v32  }
0x210: {  	[tilespmem:v31+s12+$0x0] =	vst.idx.add.s32.msk $0xffff, v2;
	v30 =	vshll.u32 v30, $0x4  }
0x211: {  	v31 =	vld [tilespmem:s21+$0x100];
	v30 =	vadd.s32 v7, v30;
	v32 =	vshll.u32 v33, $0x4  }
0x212: {  	v33 =	vld [tilespmem:s21+$0x110];
	v32 =	vadd.s32 v7, v32;
	v34 =	vshll.u32 v34, $0x4  }
0x213: {  	v34 =	vadd.s32 v7, v34;
	v35 =	vshll.u32 v35, $0x4;
	[tilespmem:v28+s12+$0x0] =	vst.idx.add.s32.msk $0xffff, v2  }
0x214: {  	[tilespmem:v29+s12+$0x0] =	vst.idx.add.s32.msk $0xffff, v2;
	v28 =	vadd.s32 v7, v35  }
0x215: {  	v29 =	vld [tilespmem:s21+$0x120]  }
0x216: {  	v31 =	vshll.u32 v31, $0x4;
	[tilespmem:v30+s12+$0x0] =	vst.idx.add.s32.msk $0xffff, v2  }
0x217: {  	v30 =	vadd.s32 v9, v31;
	v31 =	vshll.u32 v33, $0x4;
	[tilespmem:v32+s12+$0x0] =	vst.idx.add.s32.msk $0xffff, v2  }
0x218: {  	v31 =	vadd.s32 v9, v31;
	[tilespmem:v34+s12+$0x0] =	vst.idx.add.s32.msk $0xffff, v2  }
0x219: {  	[tilespmem:v28+s12+$0x0] =	vst.idx.add.s32.msk $0xffff, v2  }
0x21a: {  	v28 =	vshll.u32 v29, $0x4;
	v29 =	vld [tilespmem:s21+$0x130]  }
0x21b: {  	v28 =	vadd.s32 v9, v28;
	v32 =	vld [tilespmem:s21+$0x140]  }
0x21c: {  	v33 =	vld [tilespmem:s21+$0x150]  }
0x21d: {  	v34 =	vld [tilespmem:s21+$0x160]  }
0x21e: {  	[tilespmem:v30+s12+$0x0] =	vst.idx.add.s32.msk $0xffff, v2  }
0x21f: {  	[tilespmem:v31+s12+$0x0] =	vst.idx.add.s32.msk $0xffff, v2;
	v29 =	vshll.u32 v29, $0x4  }
0x220: {  	[tilespmem:v28+s12+$0x0] =	vst.idx.add.s32.msk $0xffff, v2;
	v28 =	vadd.s32 v9, v29;
	v29 =	vshll.u32 v32, $0x4  }
0x221: {  	v30 =	vld [tilespmem:s21+$0x180];
	v29 =	vadd.s32 v9, v29;
	v31 =	vshll.u32 v33, $0x4  }
0x222: {  	v32 =	vld [tilespmem:s21+$0x190];
	v31 =	vadd.s32 v9, v31;
	v33 =	vshll.u32 v34, $0x4  }
0x223: {  	v34 =	vld [tilespmem:s21+$0x1A0];
	v33 =	vadd.s32 v9, v33  }
0x224: {  	[tilespmem:v27+s12+$0x0] =	vst.idx.add.s32.msk $0xffff, v2  }
0x225: {  	[tilespmem:v28+s12+$0x0] =	vst.idx.add.s32.msk $0xffff, v2  }
.Ltmp2:
0x226: {  	v27 =	vshll.u32 v30, $0x4;
	[tilespmem:v29+s12+$0x0] =	vst.idx.add.s32.msk $0xffff, v2;
	(pc) =	sbr.rel @p1 .LBB2_7-.Ltmp2, $4  }
0x227: {  	v27 =	vadd.s32 v10, v27;
	v28 =	vshll.u32 v32, $0x4;
	[tilespmem:v31+s12+$0x0] =	vst.idx.add.s32.msk $0xffff, v2  }
0x228: {  	v31 =	vadd.s32 v10, v28;
	v28 =	vshll.u32 v34, $0x4;
	[tilespmem:v33+s12+$0x0] =	vst.idx.add.s32.msk $0xffff, v2  }
0x229: {  	v32 =	vadd.s32 v10, v28;
	v28 =	vld [tilespmem:s21+$0x1B0]  }
0x22a: {  	s21 =	sadd.s32 $0x400, s21;
	v29 =	vld [tilespmem:s19+$0x1C0]  }
0x22b: {  	v30 =	vld [tilespmem:s19+$0x1D0]  }
0x22c: {  	v33 =	vld [tilespmem:s19+$0x1E0];
	_ =	sdelay $0x1  }
0x22d: {  	v28 =	vshll.u32 v28, $0x4  }
0x22e: {  	v28 =	vadd.s32 v10, v28;
	v29 =	vshll.u32 v29, $0x4  }
0x22f: {  	v29 =	vadd.s32 v10, v29;
	v30 =	vshll.u32 v30, $0x4  }
0x230: {  	[tilespmem:v27+s12+$0x0] =	vst.idx.add.s32.msk $0xffff, v2;
	v63 =	vshll.u32 v33, $0x4;
	v27 =	vadd.s32 v10, v30  }
0x231: {  	[tilespmem:v31+s12+$0x0] =	vst.idx.add.s32.msk $0xffff, v2;
	p1 =	seq.s32 s17, $0x1E;
	v30 =	vadd.s32 v10, v63  }
.Ltmp3:
0x232: {  	[tilespmem:v32+s12+$0x0] =	vst.idx.add.s32.msk $0xffff, v2;
	(pc) =	sbr.rel @p1 .LBB2_10-.Ltmp3, $4  }
0x233: {  	[tilespmem:v28+s12+$0x0] =	vst.idx.add.s32.msk $0xffff, v2  }
0x234: {  	[tilespmem:v29+s12+$0x0] =	vst.idx.add.s32.msk $0xffff, v2  }
0x235: {  	[tilespmem:v27+s12+$0x0] =	vst.idx.add.s32.msk $0xffff, v2  }
0x236: {  	[tilespmem:v30+s12+$0x0] =	vst.idx.add.s32.msk $0xffff, v2  }
.Ltmp4:
0x237: {  	(pc) =	sbr.rel .LBB2_4-.Ltmp4, $3  }
0x238: {  	_ =	sdelay $0x1  }
0x239: {  	s18 =	sadd.s32 s18, s6;
	s17 =	sadd.s32 $0x1, s17  }
0x23a: {  	[tilespmem:s10], [sflag:$0x2] =	stream.linear.gather [hbm4b:s18+s2], $0x7C00, $0x38;
	[tilespmem:$0x18000] =	vst v63  }
.LBB2_10:
0x23b: {  	_ =	swait.ge [sflag:s11], $0x7C00  }
0x23c: {  	[sflag:s11] =	ssyncset.done $0x0  }
0x23d: {  	s17 =	simm.s32 $0x200;
	[sflag:s11] =	ssyncadd.s32 $0xFFFF8400  }
0x23e: {  	v27 =	vld [tilespmem:s17+$0xFFFFFE70];
	_ =	sdelay $0x3  }
0x23f: {  	v28 =	vld [tilespmem:s17+$0xFFFFFE10]  }
0x240: {  	v30 =	vld [tilespmem:s17+$0xFFFFFE30];
	v27 =	vshll.u32 v27, $0x4  }
0x241: {  	v29 =	vld [tilespmem:s17+$0xFFFFFE20];
	v27 =	vor.u32 v1, v27;
	_ =	sdelay $0x1  }
0x242: {  	v31 =	vld [tilespmem:s17+$0xFFFFFE00];
	_ =	sdelay $0x1  }
0x243: {  	v28 =	vshll.u32 v28, $0x4;
	v30 =	vshll.u32 v30, $0x4  }
0x244: {  	v30 =	vor.u32 v1, v30;
	[tilespmem:v27+s12+$0x0] =	vst.idx.add.s32.msk $0xffff, v2;
	v27 =	vor.u32 v1, v28;
	v28 =	vshll.u32 v29, $0x4  }
0x245: {  	v32 =	vld [tilespmem:s17+$0xFFFFFE40];
	v28 =	vor.u32 v1, v28  }
0x246: {  	v31 =	vshll.u32 v31, $0x4;
	v29 =	vld [tilespmem:s17+$0xFFFFFEF0]  }
0x247: {  	v33 =	vld [tilespmem:s17+$0xFFFFFE50];
	v31 =	vor.u32 v1, v31  }
0x248: {  	v34 =	vld [tilespmem:s17+$0xFFFFFE60]  }
0x249: {  	[tilespmem:v30+s12+$0x0] =	vst.idx.add.s32.msk $0xffff, v2  }
0x24a: {  	[tilespmem:v28+s12+$0x0] =	vst.idx.add.s32.msk $0xffff, v2;
	v28 =	vshll.u32 v32, $0x4  }
0x24b: {  	[tilespmem:v27+s12+$0x0] =	vst.idx.add.s32.msk $0xffff, v2;
	v27 =	vshll.u32 v29, $0x4;
	v28 =	vor.u32 v1, v28  }
0x24c: {  	[tilespmem:v31+s12+$0x0] =	vst.idx.add.s32.msk $0xffff, v2;
	v27 =	vadd.s32 v3, v27  }
0x24d: {  	v29 =	vshll.u32 v33, $0x4;
	v31 =	vld [tilespmem:s17+$0xFFFFFE90]  }
0x24e: {  	v30 =	vld [tilespmem:s17+$0xFFFFFE80];
	v29 =	vor.u32 v1, v29  }
0x24f: {  	v62 =	vshll.u32 v34, $0x4;
	v63 =	vld [tilespmem:s17+$0xFFFFFEA0]  }
0x250: {  	[tilespmem:v28+s12+$0x0] =	vst.idx.add.s32.msk $0xffff, v2;
	v28 =	vor.u32 v1, v62  }
0x251: {  	[tilespmem:v27+s12+$0x0] =	vst.idx.add.s32.msk $0xffff, v2  }
0x252: {  	v31 =	vshll.u32 v31, $0x4;
	v27 =	vld [tilespmem:s17+$0xFFFFFF70]  }
0x253: {  	[tilespmem:v29+s12+$0x0] =	vst.idx.add.s32.msk $0xffff, v2;
	v31 =	vadd.s32 v3, v31  }
0x254: {  	v29 =	vshll.u32 v30, $0x4;
	v30 =	vld [tilespmem:s17+$0xFFFFFEB0]  }
0x255: {  	v29 =	vadd.s32 v3, v29;
	[tilespmem:v28+s12+$0x0] =	vst.idx.add.s32.msk $0xffff, v2;
	v28 =	vshll.u32 v63, $0x4  }
0x256: {  	v36 =	vld [tilespmem:s17+$0xFFFFFEC0];
	v28 =	vadd.s32 v3, v28  }
0x257: {  	v37 =	vld [tilespmem:s17+$0xFFFFFED0];
	v27 =	vshll.u32 v27, $0x4  }
0x258: {  	[tilespmem:v31+s12+$0x0] =	vst.idx.add.s32.msk $0xffff, v2;
	v27 =	vadd.s32 v4, v27  }
0x259: {  	v38 =	vld [tilespmem:s17+$0xFFFFFEE0]  }
0x25a: {  	v30 =	vshll.u32 v30, $0x4;
	[tilespmem:v29+s12+$0x0] =	vst.idx.add.s32.msk $0xffff, v2  }
0x25b: {  	v29 =	vadd.s32 v3, v30;
	v30 =	vshll.u32 v36, $0x4;
	[tilespmem:v28+s12+$0x0] =	vst.idx.add.s32.msk $0xffff, v2  }
0x25c: {  	v30 =	vadd.s32 v3, v30;
	v28 =	vld [tilespmem:s17+$0xFFFFFF00]  }
0x25d: {  	v31 =	vshll.u32 v37, $0x4;
	[tilespmem:v27+s12+$0x0] =	vst.idx.add.s32.msk $0xffff, v2  }
0x25e: {  	v27 =	vadd.s32 v3, v31;
	v31 =	vld [tilespmem:s17+$0xFFFFFFF0];
	_ =	sdelay $0x1  }
0x25f: {  	[tilespmem:v29+s12+$0x0] =	vst.idx.add.s32.msk $0xffff, v2  }
0x260: {  	[tilespmem:v30+s12+$0x0] =	vst.idx.add.s32.msk $0xffff, v2;
	v30 =	vshll.u32 v38, $0x4  }
0x261: {  	v30 =	vadd.s32 v3, v30;
	v40 =	vld [tilespmem:s17+$0xFFFFFF40];
	v28 =	vshll.u32 v28, $0x4  }
0x262: {  	[tilespmem:v27+s12+$0x0] =	vst.idx.add.s32.msk $0xffff, v2;
	v28 =	vadd.s32 v4, v28;
	v27 =	vshll.u32 v31, $0x4  }
0x263: {  	v29 =	vld [tilespmem:s17+$0xFFFFFF10];
	v27 =	vadd.s32 v5, v27  }
0x264: {  	v31 =	vld [tilespmem:s17+$0xFFFFFF20]  }
0x265: {  	v39 =	vld [tilespmem:s17+$0xFFFFFF30]  }
0x266: {  	[tilespmem:v30+s12+$0x0] =	vst.idx.add.s32.msk $0xffff, v2  }
0x267: {  	v33 =	vshll.u32 v40, $0x4;
	[tilespmem:v28+s12+$0x0] =	vst.idx.add.s32.msk $0xffff, v2  }
0x268: {  	v29 =	vshll.u32 v29, $0x4;
	v28 =	vadd.s32 v4, v33;
	[tilespmem:v27+s12+$0x0] =	vst.idx.add.s32.msk $0xffff, v2  }
0x269: {  	v27 =	vadd.s32 v4, v29;
	v29 =	vshll.u32 v31, $0x4;
	v31 =	vld [tilespmem:s17+$0x70]  }
0x26a: {  	v42 =	vld [tilespmem:s17+$0xFFFFFF60];
	v29 =	vadd.s32 v4, v29  }
0x26b: {  	v41 =	vld [tilespmem:s17+$0xFFFFFF50];
	v30 =	vshll.u32 v39, $0x4  }
0x26c: {  	v30 =	vadd.s32 v4, v30;
	v44 =	vld [tilespmem:s17+$0xFFFFFF80]  }
0x26d: {  	[tilespmem:v28+s12+$0x0] =	vst.idx.add.s32.msk $0xffff, v2  }
0x26e: {  	[tilespmem:v27+s12+$0x0] =	vst.idx.add.s32.msk $0xffff, v2;
	v27 =	vshll.u32 v31, $0x4  }
0x26f: {  	[tilespmem:v29+s12+$0x0] =	vst.idx.add.s32.msk $0xffff, v2;
	v29 =	vshll.u32 v42, $0x4;
	v27 =	vadd.s32 v6, v27  }
0x270: {  	v28 =	vld [tilespmem:s17+$0xFFFFFF90];
	v29 =	vadd.s32 v4, v29  }
0x271: {  	[tilespmem:v30+s12+$0x0] =	vst.idx.add.s32.msk $0xffff, v2  }
0x272: {  	v45 =	vld [tilespmem:s17+$0xFFFFFFC0]  }
0x273: {  	v43 =	vshll.u32 v41, $0x4;
	v31 =	vld [tilespmem:s17+$0xFFFFFFB0]  }
0x274: {  	v33 =	vadd.s32 v4, v43;
	v30 =	vshll.u32 v44, $0x4;
	[tilespmem:v27+s12+$0x0] =	vst.idx.add.s32.msk $0xffff, v2  }
0x275: {  	v28 =	vshll.u32 v28, $0x4;
	[tilespmem:v29+s12+$0x0] =	vst.idx.add.s32.msk $0xffff, v2;
	v29 =	vadd.s32 v5, v30  }
0x276: {  	v30 =	vld [tilespmem:s17+$0xFFFFFFA0];
	v28 =	vadd.s32 v5, v28  }
0x277: {  	v27 =	vld [tilespmem:s17+$0xF0]  }
0x278: {  	v31 =	vshll.u32 v31, $0x4  }
0x279: {  	[tilespmem:v33+s12+$0x0] =	vst.idx.add.s32.msk $0xffff, v2;
	v31 =	vadd.s32 v5, v31  }
0x27a: {  	v32 =	vshll.u32 v45, $0x4;
	[tilespmem:v29+s12+$0x0] =	vst.idx.add.s32.msk $0xffff, v2  }
0x27b: {  	v29 =	vshll.u32 v30, $0x4;
	[tilespmem:v28+s12+$0x0] =	vst.idx.add.s32.msk $0xffff, v2;
	v28 =	vadd.s32 v5, v32  }
0x27c: {  	v33 =	vld [tilespmem:s17+$0xFFFFFFD0];
	v27 =	vshll.u32 v27, $0x4;
	v29 =	vadd.s32 v5, v29  }
0x27d: {  	v46 =	vld [tilespmem:s17+$0xFFFFFFE0];
	v27 =	vadd.s32 v7, v27  }
0x27e: {  	[tilespmem:v31+s12+$0x0] =	vst.idx.add.s32.msk $0xffff, v2  }
0x27f: {  	v30 =	vld [tilespmem:s17+$0x0]  }
0x280: {  	[tilespmem:v28+s12+$0x0] =	vst.idx.add.s32.msk $0xffff, v2  }
0x281: {  	[tilespmem:v29+s12+$0x0] =	vst.idx.add.s32.msk $0xffff, v2  }
0x282: {  	v29 =	vshll.u32 v46, $0x4;
	[tilespmem:v27+s12+$0x0] =	vst.idx.add.s32.msk $0xffff, v2  }
0x283: {  	v28 =	vadd.s32 v5, v29;
	v27 =	vld [tilespmem:s17+$0x170]  }
0x284: {  	v47 =	vshll.u32 v33, $0x4;
	v48 =	vld [tilespmem:s17+$0x10]  }
0x285: {  	v32 =	vadd.s32 v5, v47;
	v31 =	vld [tilespmem:s17+$0x30]  }
0x286: {  	v30 =	vshll.u32 v30, $0x4;
	v50 =	vld [tilespmem:s17+$0x40]  }
0x287: {  	v29 =	vld [tilespmem:s17+$0x20];
	v30 =	vadd.s32 v6, v30  }
0x288: {  	[tilespmem:v28+s12+$0x0] =	vst.idx.add.s32.msk $0xffff, v2;
	v27 =	vshll.u32 v27, $0x4  }
0x289: {  	v49 =	vshll.u32 v48, $0x4;
	v28 =	vld [tilespmem:s17+$0x60];
	v27 =	vadd.s32 v9, v27  }
0x28a: {  	[tilespmem:v32+s12+$0x0] =	vst.idx.add.s32.msk $0xffff, v2;
	v32 =	vadd.s32 v6, v49  }
0x28b: {  	v51 =	vld [tilespmem:s17+$0x50]  }
0x28c: {  	[tilespmem:v30+s12+$0x0] =	vst.idx.add.s32.msk $0xffff, v2;
	v30 =	vshll.u32 v50, $0x4  }
0x28d: {  	v29 =	vshll.u32 v29, $0x4;
	v30 =	vadd.s32 v6, v30  }
0x28e: {  	v28 =	vshll.u32 v28, $0x4;
	[tilespmem:v27+s12+$0x0] =	vst.idx.add.s32.msk $0xffff, v2;
	v27 =	vadd.s32 v6, v29  }
0x28f: {  	[tilespmem:v32+s12+$0x0] =	vst.idx.add.s32.msk $0xffff, v2;
	v29 =	vshll.u32 v31, $0x4;
	v28 =	vadd.s32 v6, v28  }
0x290: {  	v52 =	vld [tilespmem:s17+$0x80];
	v29 =	vadd.s32 v6, v29  }
0x291: {  	v53 =	vld [tilespmem:s17+$0x90];
	v31 =	vshll.u32 v51, $0x4  }
0x292: {  	[tilespmem:v30+s12+$0x0] =	vst.idx.add.s32.msk $0xffff, v2;
	v31 =	vadd.s32 v6, v31  }
0x293: {  	[tilespmem:v27+s12+$0x0] =	vst.idx.add.s32.msk $0xffff, v2  }
0x294: {  	[tilespmem:v28+s12+$0x0] =	vst.idx.add.s32.msk $0xffff, v2  }
0x295: {  	[tilespmem:v29+s12+$0x0] =	vst.idx.add.s32.msk $0xffff, v2  }
0x296: {  	v27 =	vld [tilespmem:s17+$0xA0]  }
0x297: {  	[tilespmem:v31+s12+$0x0] =	vst.idx.add.s32.msk $0xffff, v2;
	v29 =	vshll.u32 v52, $0x4  }
0x298: {  	v28 =	vadd.s32 v7, v29;
	v29 =	vshll.u32 v53, $0x4;
	v30 =	vld [tilespmem:s17+$0xB0]  }
0x299: {  	v31 =	vld [tilespmem:s17+$0xC0];
	v29 =	vadd.s32 v7, v29  }
0x29a: {  	v54 =	vld [tilespmem:s17+$0xD0]  }
0x29b: {  	v56 =	vld [tilespmem:s17+$0x1F0];
	v27 =	vshll.u32 v27, $0x4  }
0x29c: {  	v55 =	vld [tilespmem:s17+$0xE0];
	v27 =	vadd.s32 v7, v27  }
0x29d: {  	[tilespmem:v28+s12+$0x0] =	vst.idx.add.s32.msk $0xffff, v2;
	v28 =	vshll.u32 v30, $0x4  }
0x29e: {  	[tilespmem:v29+s12+$0x0] =	vst.idx.add.s32.msk $0xffff, v2;
	v28 =	vadd.s32 v7, v28;
	v29 =	vshll.u32 v31, $0x4  }
0x29f: {  	v30 =	vld [tilespmem:s17+$0x100];
	v31 =	vshll.u32 v54, $0x4;
	v29 =	vadd.s32 v7, v29  }
0x2a0: {  	v57 =	vld [tilespmem:s17+$0x110];
	v31 =	vadd.s32 v7, v31  }
0x2a1: {  	v33 =	vshll.u32 v55, $0x4;
	[tilespmem:v27+s12+$0x0] =	vst.idx.add.s32.msk $0xffff, v2  }
0x2a2: {  	v27 =	vadd.s32 v7, v33;
	v58 =	vld [tilespmem:s17+$0x120]  }
0x2a3: {  	[tilespmem:v28+s12+$0x0] =	vst.idx.add.s32.msk $0xffff, v2  }
0x2a4: {  	[tilespmem:v29+s12+$0x0] =	vst.idx.add.s32.msk $0xffff, v2  }
0x2a5: {  	v28 =	vshll.u32 v56, $0x4;
	[tilespmem:v31+s12+$0x0] =	vst.idx.add.s32.msk $0xffff, v2  }
0x2a6: {  	v28 =	vadd.s32 v10, v28;
	v29 =	vshll.u32 v30, $0x4;
	v59 =	vld [tilespmem:s17+$0x140]  }
0x2a7: {  	[tilespmem:v27+s12+$0x0] =	vst.idx.add.s32.msk $0xffff, v2;
	v27 =	vadd.s32 v9, v29;
	v29 =	vshll.u32 v57, $0x4  }
0x2a8: {  	v30 =	vld [tilespmem:s17+$0x130];
	v29 =	vadd.s32 v9, v29  }
0x2a9: {  	v60 =	vld [tilespmem:s17+$0x150];
	v31 =	vshll.u32 v58, $0x4  }
0x2aa: {  	v61 =	vld [tilespmem:s17+$0x160];
	v31 =	vadd.s32 v9, v31  }
0x2ab: {  	[tilespmem:v28+s12+$0x0] =	vst.idx.add.s32.msk $0xffff, v2  }
0x2ac: {  	v28 =	vshll.u32 v59, $0x4;
	[tilespmem:v27+s12+$0x0] =	vst.idx.add.s32.msk $0xffff, v2  }
0x2ad: {  	v28 =	vadd.s32 v9, v28;
	v27 =	vshll.u32 v30, $0x4;
	[tilespmem:v29+s12+$0x0] =	vst.idx.add.s32.msk $0xffff, v2  }
0x2ae: {  	v27 =	vadd.s32 v9, v27;
	v29 =	vshll.u32 v60, $0x4;
	v30 =	vld [tilespmem:s17+$0x180]  }
0x2af: {  	[tilespmem:v31+s12+$0x0] =	vst.idx.add.s32.msk $0xffff, v2;
	v29 =	vadd.s32 v9, v29  }
0x2b0: {  	v31 =	vshll.u32 v61, $0x4;
	v62 =	vld [tilespmem:s17+$0x190]  }
0x2b1: {  	v31 =	vadd.s32 v9, v31;
	v63 =	vld [tilespmem:s17+$0x1A0]  }
0x2b2: {  	[tilespmem:v28+s12+$0x0] =	vst.idx.add.s32.msk $0xffff, v2  }
0x2b3: {  	[tilespmem:v27+s12+$0x0] =	vst.idx.add.s32.msk $0xffff, v2  }
0x2b4: {  	[tilespmem:v29+s12+$0x0] =	vst.idx.add.s32.msk $0xffff, v2  }
0x2b5: {  	v28 =	vld [tilespmem:s17+$0x1B0]  }
0x2b6: {  	v27 =	vshll.u32 v30, $0x4;
	v29 =	vshll.u32 v62, $0x4;
	[tilespmem:v31+s12+$0x0] =	vst.idx.add.s32.msk $0xffff, v2;
	v30 =	vshll.u32 v63, $0x4  }
0x2b7: {  	s18 =	simm.s32 $0x0;
	s19 =	simm.s32 $0x600;
	v27 =	vadd.s32 v10, v27;
	v31 =	vadd.s32 v10, v29;
	v29 =	vld [tilespmem:s17+$0x1C0];
	v32 =	vadd.s32 v10, v30  }
.LBB2_11:
0x2b8: {  	v33 =	vld [tilespmem:s19+$0xFFFFFE70];
	s18 =	sadd.s32 $0x8, s18  }
0x2b9: {  	v34 =	vld [tilespmem:s19+$0xFFFFFE10];
	p1 =	slt.u32 s18, $0xF0  }
0x2ba: {  	v35 =	vld [tilespmem:s19+$0xFFFFFE20]  }
0x2bb: {  	v36 =	vld [tilespmem:s19+$0xFFFFFE30];
	v28 =	vshll.u32 v28, $0x4  }
0x2bc: {  	v37 =	vld [tilespmem:s19+$0xFFFFFE40];
	v30 =	vadd.s32 v10, v28;
	v28 =	vshll.u32 v29, $0x4  }
0x2bd: {  	v38 =	vld [tilespmem:s19+$0xFFFFFE50];
	v33 =	vshll.u32 v33, $0x4;
	v29 =	vadd.s32 v10, v28  }
0x2be: {  	v28 =	vshll.u32 v34, $0x4;
	v34 =	vld [tilespmem:s19+$0xFFFFFE60];
	v33 =	vor.u32 v1, v33  }
0x2bf: {  	v39 =	vld [tilespmem:s19+$0xFFFFFE00];
	v28 =	vor.u32 v1, v28;
	v35 =	vshll.u32 v35, $0x4  }
0x2c0: {  	v35 =	vor.u32 v1, v35;
	v36 =	vshll.u32 v36, $0x4;
	v40 =	vld [tilespmem:s17+$0x1D0]  }
0x2c1: {  	v36 =	vor.u32 v1, v36;
	v37 =	vshll.u32 v37, $0x4;
	v41 =	vld [tilespmem:s17+$0x1E0];
	s17 =	smov.u32 s19  }
0x2c2: {  	v37 =	vor.u32 v1, v37;
	v38 =	vshll.u32 v38, $0x4;
	[tilespmem:v27+s12+$0x0] =	vst.idx.add.s32.msk $0xffff, v2  }
0x2c3: {  	v38 =	vor.u32 v1, v38;
	v27 =	vshll.u32 v34, $0x4;
	[tilespmem:v33+s12+$0x0] =	vst.idx.add.s32.msk $0xffff, v2  }
0x2c4: {  	v33 =	vshll.u32 v39, $0x4;
	v34 =	vor.u32 v1, v27;
	v39 =	vld [tilespmem:s19+$0xFFFFFEF0]  }
0x2c5: {  	v33 =	vor.u32 v1, v33;
	[tilespmem:v28+s12+$0x0] =	vst.idx.add.s32.msk $0xffff, v2;
	v27 =	vshll.u32 v40, $0x4  }
0x2c6: {  	[tilespmem:v35+s12+$0x0] =	vst.idx.add.s32.msk $0xffff, v2;
	v28 =	vadd.s32 v10, v27;
	v27 =	vshll.u32 v41, $0x4  }
0x2c7: {  	[tilespmem:v36+s12+$0x0] =	vst.idx.add.s32.msk $0xffff, v2;
	v27 =	vadd.s32 v10, v27  }
0x2c8: {  	[tilespmem:v37+s12+$0x0] =	vst.idx.add.s32.msk $0xffff, v2  }
0x2c9: {  	[tilespmem:v38+s12+$0x0] =	vst.idx.add.s32.msk $0xffff, v2;
	v35 =	vshll.u32 v39, $0x4  }
0x2ca: {  	[tilespmem:v33+s12+$0x0] =	vst.idx.add.s32.msk $0xffff, v2;
	v33 =	vadd.s32 v3, v35  }
0x2cb: {  	[tilespmem:v34+s12+$0x0] =	vst.idx.add.s32.msk $0xffff, v2  }
0x2cc: {  	v34 =	vld [tilespmem:s19+$0xFFFFFE80]  }
0x2cd: {  	v35 =	vld [tilespmem:s19+$0xFFFFFE90]  }
0x2ce: {  	v36 =	vld [tilespmem:s19+$0xFFFFFEA0]  }
0x2cf: {  	[tilespmem:v33+s12+$0x0] =	vst.idx.add.s32.msk $0xffff, v2  }
0x2d0: {  	v33 =	vld [tilespmem:s19+$0xFFFFFF70]  }
0x2d1: {  	v34 =	vshll.u32 v34, $0x4;
	v37 =	vld [tilespmem:s19+$0xFFFFFEB0]  }
0x2d2: {  	v34 =	vadd.s32 v3, v34;
	v35 =	vshll.u32 v35, $0x4;
	v38 =	vld [tilespmem:s19+$0xFFFFFEC0]  }
0x2d3: {  	v35 =	vadd.s32 v3, v35;
	v36 =	vshll.u32 v36, $0x4;
	v39 =	vld [tilespmem:s19+$0xFFFFFED0]  }
0x2d4: {  	v36 =	vadd.s32 v3, v36;
	v40 =	vld [tilespmem:s19+$0xFFFFFEE0]  }
0x2d5: {  	v33 =	vshll.u32 v33, $0x4;
	[tilespmem:v31+s12+$0x0] =	vst.idx.add.s32.msk $0xffff, v2  }
0x2d6: {  	v31 =	vshll.u32 v37, $0x4;
	v33 =	vadd.s32 v4, v33;
	[tilespmem:v32+s12+$0x0] =	vst.idx.add.s32.msk $0xffff, v2  }
0x2d7: {  	[tilespmem:v34+s12+$0x0] =	vst.idx.add.s32.msk $0xffff, v2;
	v31 =	vadd.s32 v3, v31;
	v32 =	vshll.u32 v38, $0x4  }
0x2d8: {  	[tilespmem:v35+s12+$0x0] =	vst.idx.add.s32.msk $0xffff, v2;
	v32 =	vadd.s32 v3, v32;
	v34 =	vshll.u32 v39, $0x4  }
0x2d9: {  	[tilespmem:v36+s12+$0x0] =	vst.idx.add.s32.msk $0xffff, v2;
	v34 =	vadd.s32 v3, v34;
	v35 =	vshll.u32 v40, $0x4  }
0x2da: {  	v36 =	vld [tilespmem:s19+$0xFFFFFF00];
	v35 =	vadd.s32 v3, v35  }
0x2db: {  	[tilespmem:v33+s12+$0x0] =	vst.idx.add.s32.msk $0xffff, v2  }
0x2dc: {  	v33 =	vld [tilespmem:s19+$0xFFFFFFF0]  }
0x2dd: {  	[tilespmem:v31+s12+$0x0] =	vst.idx.add.s32.msk $0xffff, v2  }
0x2de: {  	[tilespmem:v32+s12+$0x0] =	vst.idx.add.s32.msk $0xffff, v2  }
0x2df: {  	v31 =	vshll.u32 v36, $0x4;
	[tilespmem:v34+s12+$0x0] =	vst.idx.add.s32.msk $0xffff, v2  }
0x2e0: {  	v31 =	vadd.s32 v4, v31;
	[tilespmem:v35+s12+$0x0] =	vst.idx.add.s32.msk $0xffff, v2  }
0x2e1: {  	v32 =	vld [tilespmem:s19+$0xFFFFFF10];
	v33 =	vshll.u32 v33, $0x4  }
0x2e2: {  	v34 =	vld [tilespmem:s19+$0xFFFFFF20];
	v33 =	vadd.s32 v5, v33  }
0x2e3: {  	v35 =	vld [tilespmem:s19+$0xFFFFFF30]  }
0x2e4: {  	v36 =	vld [tilespmem:s19+$0xFFFFFF40]  }
0x2e5: {  	v37 =	vld [tilespmem:s19+$0xFFFFFF50]  }
0x2e6: {  	v32 =	vshll.u32 v32, $0x4;
	v38 =	vld [tilespmem:s19+$0xFFFFFF60]  }
0x2e7: {  	v32 =	vadd.s32 v4, v32;
	v34 =	vshll.u32 v34, $0x4;
	[tilespmem:v33+s12+$0x0] =	vst.idx.add.s32.msk $0xffff, v2  }
0x2e8: {  	v33 =	vadd.s32 v4, v34;
	v34 =	vshll.u32 v35, $0x4;
	v35 =	vld [tilespmem:s19+$0x70]  }
0x2e9: {  	[tilespmem:v31+s12+$0x0] =	vst.idx.add.s32.msk $0xffff, v2;
	v31 =	vadd.s32 v4, v34;
	v34 =	vshll.u32 v36, $0x4  }
0x2ea: {  	v36 =	vld [tilespmem:s19+$0xFFFFFF80];
	v34 =	vadd.s32 v4, v34;
	v37 =	vshll.u32 v37, $0x4  }
0x2eb: {  	v37 =	vadd.s32 v4, v37;
	v38 =	vshll.u32 v38, $0x4;
	[tilespmem:v30+s12+$0x0] =	vst.idx.add.s32.msk $0xffff, v2  }
0x2ec: {  	[tilespmem:v32+s12+$0x0] =	vst.idx.add.s32.msk $0xffff, v2;
	v30 =	vadd.s32 v4, v38  }
0x2ed: {  	[tilespmem:v33+s12+$0x0] =	vst.idx.add.s32.msk $0xffff, v2;
	v32 =	vshll.u32 v35, $0x4  }
0x2ee: {  	[tilespmem:v31+s12+$0x0] =	vst.idx.add.s32.msk $0xffff, v2;
	v31 =	vadd.s32 v6, v32  }
0x2ef: {  	v32 =	vshll.u32 v36, $0x4;
	[tilespmem:v34+s12+$0x0] =	vst.idx.add.s32.msk $0xffff, v2  }
0x2f0: {  	v32 =	vadd.s32 v5, v32;
	[tilespmem:v37+s12+$0x0] =	vst.idx.add.s32.msk $0xffff, v2  }
0x2f1: {  	[tilespmem:v30+s12+$0x0] =	vst.idx.add.s32.msk $0xffff, v2  }
0x2f2: {  	v30 =	vld [tilespmem:s19+$0xFFFFFF90]  }
0x2f3: {  	[tilespmem:v31+s12+$0x0] =	vst.idx.add.s32.msk $0xffff, v2  }
0x2f4: {  	v31 =	vld [tilespmem:s19+$0xF0]  }
0x2f5: {  	v33 =	vld [tilespmem:s19+$0xFFFFFFA0]  }
0x2f6: {  	v34 =	vld [tilespmem:s19+$0xFFFFFFB0]  }
0x2f7: {  	v30 =	vshll.u32 v30, $0x4;
	v35 =	vld [tilespmem:s19+$0xFFFFFFC0]  }
0x2f8: {  	v30 =	vadd.s32 v5, v30;
	v36 =	vld [tilespmem:s19+$0xFFFFFFD0]  }
0x2f9: {  	v37 =	vld [tilespmem:s19+$0xFFFFFFE0];
	v31 =	vshll.u32 v31, $0x4  }
0x2fa: {  	[tilespmem:v32+s12+$0x0] =	vst.idx.add.s32.msk $0xffff, v2;
	v32 =	vshll.u32 v33, $0x4;
	v31 =	vadd.s32 v7, v31  }
0x2fb: {  	v33 =	vld [tilespmem:s19+$0x0];
	v32 =	vadd.s32 v5, v32;
	v34 =	vshll.u32 v34, $0x4  }
0x2fc: {  	v34 =	vadd.s32 v5, v34;
	v35 =	vshll.u32 v35, $0x4;
	[tilespmem:v29+s12+$0x0] =	vst.idx.add.s32.msk $0xffff, v2  }
0x2fd: {  	[tilespmem:v30+s12+$0x0] =	vst.idx.add.s32.msk $0xffff, v2;
	v29 =	vadd.s32 v5, v35;
	v30 =	vshll.u32 v36, $0x4  }
0x2fe: {  	v35 =	vld [tilespmem:s19+$0x10];
	v30 =	vadd.s32 v5, v30;
	v36 =	vshll.u32 v37, $0x4  }
0x2ff: {  	v36 =	vadd.s32 v5, v36;
	[tilespmem:v31+s12+$0x0] =	vst.idx.add.s32.msk $0xffff, v2  }
0x300: {  	v31 =	vshll.u32 v33, $0x4;
	v33 =	vld [tilespmem:s19+$0x170]  }
0x301: {  	v31 =	vadd.s32 v6, v31;
	[tilespmem:v32+s12+$0x0] =	vst.idx.add.s32.msk $0xffff, v2  }
0x302: {  	[tilespmem:v34+s12+$0x0] =	vst.idx.add.s32.msk $0xffff, v2  }
0x303: {  	v32 =	vshll.u32 v35, $0x4;
	[tilespmem:v29+s12+$0x0] =	vst.idx.add.s32.msk $0xffff, v2  }
0x304: {  	v29 =	vadd.s32 v6, v32;
	[tilespmem:v30+s12+$0x0] =	vst.idx.add.s32.msk $0xffff, v2  }
0x305: {  	[tilespmem:v36+s12+$0x0] =	vst.idx.add.s32.msk $0xffff, v2;
	v30 =	vshll.u32 v33, $0x4  }
0x306: {  	v32 =	vld [tilespmem:s19+$0x20];
	v30 =	vadd.s32 v9, v30  }
0x307: {  	v33 =	vld [tilespmem:s19+$0x30]  }
0x308: {  	v34 =	vld [tilespmem:s19+$0x40]  }
0x309: {  	v35 =	vld [tilespmem:s19+$0x50]  }
0x30a: {  	v36 =	vld [tilespmem:s19+$0x60]  }
0x30b: {  	v32 =	vshll.u32 v32, $0x4;
	[tilespmem:v30+s12+$0x0] =	vst.idx.add.s32.msk $0xffff, v2  }
0x30c: {  	v30 =	vadd.s32 v6, v32;
	v32 =	vshll.u32 v33, $0x4;
	v33 =	vld [tilespmem:s19+$0x1F0]  }
0x30d: {  	[tilespmem:v31+s12+$0x0] =	vst.idx.add.s32.msk $0xffff, v2;
	v31 =	vadd.s32 v6, v32;
	v32 =	vshll.u32 v34, $0x4  }
0x30e: {  	[tilespmem:v29+s12+$0x0] =	vst.idx.add.s32.msk $0xffff, v2;
	v29 =	vadd.s32 v6, v32;
	v32 =	vshll.u32 v35, $0x4  }
0x30f: {  	v34 =	vld [tilespmem:s19+$0x80];
	v32 =	vadd.s32 v6, v32;
	v35 =	vshll.u32 v36, $0x4  }
0x310: {  	v36 =	vld [tilespmem:s19+$0x90];
	v35 =	vadd.s32 v6, v35  }
0x311: {  	[tilespmem:v30+s12+$0x0] =	vst.idx.add.s32.msk $0xffff, v2;
	v30 =	vshll.u32 v33, $0x4  }
0x312: {  	[tilespmem:v31+s12+$0x0] =	vst.idx.add.s32.msk $0xffff, v2;
	v30 =	vadd.s32 v10, v30  }
0x313: {  	[tilespmem:v29+s12+$0x0] =	vst.idx.add.s32.msk $0xffff, v2  }
0x314: {  	v29 =	vshll.u32 v34, $0x4;
	[tilespmem:v32+s12+$0x0] =	vst.idx.add.s32.msk $0xffff, v2  }
0x315: {  	v29 =	vadd.s32 v7, v29;
	v31 =	vshll.u32 v36, $0x4;
	[tilespmem:v35+s12+$0x0] =	vst.idx.add.s32.msk $0xffff, v2  }
0x316: {  	v31 =	vadd.s32 v7, v31;
	v32 =	vld [tilespmem:s19+$0xA0]  }
0x317: {  	[tilespmem:v30+s12+$0x0] =	vst.idx.add.s32.msk $0xffff, v2  }
0x318: {  	v30 =	vld [tilespmem:s19+$0xB0]  }
0x319: {  	v33 =	vld [tilespmem:s19+$0xC0]  }
0x31a: {  	v34 =	vld [tilespmem:s19+$0xD0]  }
0x31b: {  	v32 =	vshll.u32 v32, $0x4;
	v35 =	vld [tilespmem:s19+$0xE0]  }
0x31c: {  	[tilespmem:v29+s12+$0x0] =	vst.idx.add.s32.msk $0xffff, v2;
	v29 =	vadd.s32 v7, v32  }
0x31d: {  	[tilespmem:v31+s12+$0x0] =	vst.idx.add.s32.msk $0xffff, v2;
	v30 =	vshll.u32 v30, $0x4  }
0x31e: {  	v31 =	vld [tilespmem:s19+$0x100];
	v30 =	vadd.s32 v7, v30;
	v32 =	vshll.u32 v33, $0x4  }
0x31f: {  	v33 =	vld [tilespmem:s19+$0x110];
	v32 =	vadd.s32 v7, v32;
	v34 =	vshll.u32 v34, $0x4  }
0x320: {  	v34 =	vadd.s32 v7, v34;
	v35 =	vshll.u32 v35, $0x4;
	[tilespmem:v28+s12+$0x0] =	vst.idx.add.s32.msk $0xffff, v2  }
0x321: {  	[tilespmem:v29+s12+$0x0] =	vst.idx.add.s32.msk $0xffff, v2;
	v28 =	vadd.s32 v7, v35  }
0x322: {  	v29 =	vld [tilespmem:s19+$0x120]  }
0x323: {  	v31 =	vshll.u32 v31, $0x4;
	[tilespmem:v30+s12+$0x0] =	vst.idx.add.s32.msk $0xffff, v2  }
0x324: {  	v30 =	vadd.s32 v9, v31;
	v31 =	vshll.u32 v33, $0x4;
	[tilespmem:v32+s12+$0x0] =	vst.idx.add.s32.msk $0xffff, v2  }
0x325: {  	v31 =	vadd.s32 v9, v31;
	[tilespmem:v34+s12+$0x0] =	vst.idx.add.s32.msk $0xffff, v2  }
0x326: {  	[tilespmem:v28+s12+$0x0] =	vst.idx.add.s32.msk $0xffff, v2  }
0x327: {  	v28 =	vshll.u32 v29, $0x4;
	v29 =	vld [tilespmem:s19+$0x130]  }
0x328: {  	v28 =	vadd.s32 v9, v28;
	v32 =	vld [tilespmem:s19+$0x140]  }
0x329: {  	v33 =	vld [tilespmem:s19+$0x150]  }
0x32a: {  	v34 =	vld [tilespmem:s19+$0x160]  }
0x32b: {  	[tilespmem:v30+s12+$0x0] =	vst.idx.add.s32.msk $0xffff, v2  }
0x32c: {  	[tilespmem:v31+s12+$0x0] =	vst.idx.add.s32.msk $0xffff, v2;
	v29 =	vshll.u32 v29, $0x4  }
0x32d: {  	[tilespmem:v28+s12+$0x0] =	vst.idx.add.s32.msk $0xffff, v2;
	v28 =	vadd.s32 v9, v29;
	v29 =	vshll.u32 v32, $0x4  }
0x32e: {  	v30 =	vld [tilespmem:s19+$0x180];
	v29 =	vadd.s32 v9, v29;
	v31 =	vshll.u32 v33, $0x4  }
0x32f: {  	v32 =	vld [tilespmem:s19+$0x190];
	v31 =	vadd.s32 v9, v31;
	v33 =	vshll.u32 v34, $0x4  }
0x330: {  	v34 =	vld [tilespmem:s19+$0x1A0];
	v33 =	vadd.s32 v9, v33  }
0x331: {  	[tilespmem:v27+s12+$0x0] =	vst.idx.add.s32.msk $0xffff, v2  }
0x332: {  	[tilespmem:v28+s12+$0x0] =	vst.idx.add.s32.msk $0xffff, v2  }
.Ltmp5:
0x333: {  	v27 =	vshll.u32 v30, $0x4;
	[tilespmem:v29+s12+$0x0] =	vst.idx.add.s32.msk $0xffff, v2;
	(pc) =	sbr.rel @p1 .LBB2_11-.Ltmp5, $4  }
0x334: {  	v27 =	vadd.s32 v10, v27;
	v28 =	vshll.u32 v32, $0x4;
	[tilespmem:v31+s12+$0x0] =	vst.idx.add.s32.msk $0xffff, v2  }
0x335: {  	v31 =	vadd.s32 v10, v28;
	v28 =	vshll.u32 v34, $0x4;
	[tilespmem:v33+s12+$0x0] =	vst.idx.add.s32.msk $0xffff, v2  }
0x336: {  	v32 =	vadd.s32 v10, v28;
	v28 =	vld [tilespmem:s19+$0x1B0]  }
0x337: {  	s19 =	sadd.s32 $0x400, s19;
	v29 =	vld [tilespmem:s17+$0x1C0]  }
0x338: {  	v30 =	vld [tilespmem:s17+$0x1D0]  }
0x339: {  	v33 =	vld [tilespmem:s17+$0x1E0];
	_ =	sdelay $0x1  }
0x33a: {  	v28 =	vshll.u32 v28, $0x4  }
0x33b: {  	v28 =	vadd.s32 v10, v28;
	v29 =	vshll.u32 v29, $0x4  }
0x33c: {  	v29 =	vadd.s32 v10, v29;
	v30 =	vshll.u32 v30, $0x4  }
0x33d: {  	[tilespmem:v27+s12+$0x0] =	vst.idx.add.s32.msk $0xffff, v2;
	v63 =	vshll.u32 v33, $0x4;
	v27 =	vadd.s32 v10, v30  }
0x33e: {  	[tilespmem:v31+s12+$0x0] =	vst.idx.add.s32.msk $0xffff, v2;
	v30 =	vadd.s32 v10, v63  }
.Ltmp6:
0x33f: {  	[tilespmem:v32+s12+$0x0] =	vst.idx.add.s32.msk $0xffff, v2;
	(pc) =	sbr.rel @p0 .LBB2_14-.Ltmp6, $4  }
0x340: {  	[tilespmem:v28+s12+$0x0] =	vst.idx.add.s32.msk $0xffff, v2  }
0x341: {  	[tilespmem:v29+s12+$0x0] =	vst.idx.add.s32.msk $0xffff, v2  }
0x342: {  	[tilespmem:v27+s12+$0x0] =	vst.idx.add.s32.msk $0xffff, v2  }
0x343: {  	[tilespmem:v30+s12+$0x0] =	vst.idx.add.s32.msk $0xffff, v2  }
0x344: {  	[tilespmem:s2], [sflag:$0x3] =	stream.linear.gather [hbm4b:s7+s2], $0x400, $0x38;
	[tilespmem:$0x18000] =	vst v63  }
0x345: {  	_ =	swait.ge [sflag:s14], $0x400  }
0x346: {  	[sflag:s14] =	ssyncset.done $0x0  }
0x347: {  	[sflag:s14] =	ssyncadd.s32 $0xFFFFFC00  }
0x348: {  	v27 =	vld [tilespmem:$0x0]  }
0x349: {  	v28 =	vld [tilespmem:$0x10]  }
0x34a: {  	v29 =	vld [tilespmem:$0x20]  }
0x34b: {  	v30 =	vld [tilespmem:$0x30]  }
0x34c: {  	v31 =	vld [tilespmem:$0x40]  }
0x34d: {  	v27 =	vshll.u32 v27, $0x4  }
0x34e: {  	v28 =	vshll.u32 v28, $0x4;
	v27 =	vor.u32 v1, v27  }
0x34f: {  	v29 =	vshll.u32 v29, $0x4;
	v28 =	vor.u32 v1, v28  }
0x350: {  	v32 =	vld [tilespmem:$0x50];
	v36 =	vshll.u32 v30, $0x4;
	v29 =	vor.u32 v1, v29  }
0x351: {  	v33 =	vld [tilespmem:$0x60];
	v31 =	vshll.u32 v31, $0x4;
	v30 =	vor.u32 v1, v36  }
0x352: {  	v34 =	vld [tilespmem:$0x70];
	v31 =	vor.u32 v1, v31  }
0x353: {  	[tilespmem:v27+s12+$0x0] =	vst.idx.add.s32.msk $0xffff, v2  }
0x354: {  	[tilespmem:v28+s12+$0x0] =	vst.idx.add.s32.msk $0xffff, v2  }
0x355: {  	[tilespmem:v29+s12+$0x0] =	vst.idx.add.s32.msk $0xffff, v2  }
0x356: {  	[tilespmem:v30+s12+$0x0] =	vst.idx.add.s32.msk $0xffff, v2  }
0x357: {  	v37 =	vshll.u32 v32, $0x4;
	[tilespmem:v31+s12+$0x0] =	vst.idx.add.s32.msk $0xffff, v2  }
0x358: {  	v39 =	vshll.u32 v33, $0x4;
	v29 =	vor.u32 v1, v37;
	v27 =	vld [tilespmem:$0x80]  }
0x359: {  	v41 =	vshll.u32 v34, $0x4;
	v30 =	vor.u32 v1, v39;
	v28 =	vld [tilespmem:$0x90]  }
0x35a: {  	v31 =	vor.u32 v1, v41;
	v38 =	vld [tilespmem:$0xA0]  }
0x35b: {  	v40 =	vld [tilespmem:$0xB0]  }
0x35c: {  	v42 =	vld [tilespmem:$0xC0]  }
0x35d: {  	[tilespmem:v29+s12+$0x0] =	vst.idx.add.s32.msk $0xffff, v2;
	v27 =	vshll.u32 v27, $0x4  }
0x35e: {  	[tilespmem:v30+s12+$0x0] =	vst.idx.add.s32.msk $0xffff, v2;
	v28 =	vshll.u32 v28, $0x4;
	v27 =	vadd.s32 v3, v27  }
0x35f: {  	[tilespmem:v31+s12+$0x0] =	vst.idx.add.s32.msk $0xffff, v2;
	v32 =	vshll.u32 v38, $0x4;
	v28 =	vadd.s32 v3, v28  }
0x360: {  	v44 =	vld [tilespmem:$0xD0];
	v33 =	vshll.u32 v40, $0x4;
	v43 =	vadd.s32 v3, v32  }
0x361: {  	v46 =	vld [tilespmem:$0xE0];
	v34 =	vshll.u32 v42, $0x4;
	v45 =	vadd.s32 v3, v33  }
0x362: {  	v48 =	vld [tilespmem:$0xF0];
	v47 =	vadd.s32 v3, v34  }
0x363: {  	[tilespmem:v27+s12+$0x0] =	vst.idx.add.s32.msk $0xffff, v2  }
0x364: {  	[tilespmem:v28+s12+$0x0] =	vst.idx.add.s32.msk $0xffff, v2  }
0x365: {  	[tilespmem:v43+s12+$0x0] =	vst.idx.add.s32.msk $0xffff, v2  }
0x366: {  	[tilespmem:v45+s12+$0x0] =	vst.idx.add.s32.msk $0xffff, v2  }
0x367: {  	v49 =	vshll.u32 v44, $0x4;
	[tilespmem:v47+s12+$0x0] =	vst.idx.add.s32.msk $0xffff, v2  }
0x368: {  	v51 =	vshll.u32 v46, $0x4;
	v29 =	vadd.s32 v3, v49;
	v27 =	vld [tilespmem:$0x100]  }
0x369: {  	v53 =	vshll.u32 v48, $0x4;
	v30 =	vadd.s32 v3, v51;
	v28 =	vld [tilespmem:$0x110]  }
0x36a: {  	v31 =	vadd.s32 v3, v53;
	v50 =	vld [tilespmem:$0x120]  }
0x36b: {  	v52 =	vld [tilespmem:$0x130]  }
0x36c: {  	v54 =	vld [tilespmem:$0x140]  }
0x36d: {  	[tilespmem:v29+s12+$0x0] =	vst.idx.add.s32.msk $0xffff, v2;
	v27 =	vshll.u32 v27, $0x4  }
0x36e: {  	[tilespmem:v30+s12+$0x0] =	vst.idx.add.s32.msk $0xffff, v2;
	v28 =	vshll.u32 v28, $0x4;
	v27 =	vadd.s32 v4, v27  }
0x36f: {  	[tilespmem:v31+s12+$0x0] =	vst.idx.add.s32.msk $0xffff, v2;
	v32 =	vshll.u32 v50, $0x4;
	v28 =	vadd.s32 v4, v28  }
0x370: {  	v56 =	vld [tilespmem:$0x150];
	v33 =	vshll.u32 v52, $0x4;
	v55 =	vadd.s32 v4, v32  }
0x371: {  	v58 =	vld [tilespmem:$0x160];
	v34 =	vshll.u32 v54, $0x4;
	v57 =	vadd.s32 v4, v33  }
0x372: {  	v60 =	vld [tilespmem:$0x170];
	v59 =	vadd.s32 v4, v34  }
0x373: {  	[tilespmem:v27+s12+$0x0] =	vst.idx.add.s32.msk $0xffff, v2  }
0x374: {  	[tilespmem:v28+s12+$0x0] =	vst.idx.add.s32.msk $0xffff, v2  }
0x375: {  	[tilespmem:v55+s12+$0x0] =	vst.idx.add.s32.msk $0xffff, v2  }
0x376: {  	[tilespmem:v57+s12+$0x0] =	vst.idx.add.s32.msk $0xffff, v2  }
0x377: {  	v61 =	vshll.u32 v56, $0x4;
	[tilespmem:v59+s12+$0x0] =	vst.idx.add.s32.msk $0xffff, v2  }
0x378: {  	v63 =	vshll.u32 v58, $0x4;
	v29 =	vadd.s32 v4, v61;
	v27 =	vld [tilespmem:$0x180]  }
0x379: {  	v37 =	vshll.u32 v60, $0x4;
	v30 =	vadd.s32 v4, v63;
	v28 =	vld [tilespmem:$0x190]  }
0x37a: {  	v31 =	vadd.s32 v4, v37;
	v62 =	vld [tilespmem:$0x1A0]  }
0x37b: {  	v36 =	vld [tilespmem:$0x1B0]  }
0x37c: {  	v38 =	vld [tilespmem:$0x1C0]  }
0x37d: {  	[tilespmem:v29+s12+$0x0] =	vst.idx.add.s32.msk $0xffff, v2;
	v27 =	vshll.u32 v27, $0x4  }
0x37e: {  	[tilespmem:v30+s12+$0x0] =	vst.idx.add.s32.msk $0xffff, v2;
	v28 =	vshll.u32 v28, $0x4;
	v27 =	vadd.s32 v5, v27  }
0x37f: {  	[tilespmem:v31+s12+$0x0] =	vst.idx.add.s32.msk $0xffff, v2;
	v32 =	vshll.u32 v62, $0x4;
	v28 =	vadd.s32 v5, v28  }
0x380: {  	v40 =	vld [tilespmem:$0x1D0];
	v33 =	vshll.u32 v36, $0x4;
	v39 =	vadd.s32 v5, v32  }
0x381: {  	v42 =	vld [tilespmem:$0x1E0];
	v34 =	vshll.u32 v38, $0x4;
	v41 =	vadd.s32 v5, v33  }
0x382: {  	v44 =	vld [tilespmem:$0x1F0];
	v43 =	vadd.s32 v5, v34  }
0x383: {  	[tilespmem:v27+s12+$0x0] =	vst.idx.add.s32.msk $0xffff, v2  }
0x384: {  	[tilespmem:v28+s12+$0x0] =	vst.idx.add.s32.msk $0xffff, v2  }
0x385: {  	[tilespmem:v39+s12+$0x0] =	vst.idx.add.s32.msk $0xffff, v2  }
0x386: {  	[tilespmem:v41+s12+$0x0] =	vst.idx.add.s32.msk $0xffff, v2  }
0x387: {  	v45 =	vshll.u32 v40, $0x4;
	[tilespmem:v43+s12+$0x0] =	vst.idx.add.s32.msk $0xffff, v2  }
0x388: {  	v47 =	vshll.u32 v42, $0x4;
	v29 =	vadd.s32 v5, v45;
	v27 =	vld [tilespmem:$0x200]  }
0x389: {  	v49 =	vshll.u32 v44, $0x4;
	v30 =	vadd.s32 v5, v47;
	v28 =	vld [tilespmem:$0x210]  }
0x38a: {  	v31 =	vadd.s32 v5, v49;
	v46 =	vld [tilespmem:$0x220]  }
0x38b: {  	v48 =	vld [tilespmem:$0x230]  }
0x38c: {  	v50 =	vld [tilespmem:$0x240]  }
0x38d: {  	[tilespmem:v29+s12+$0x0] =	vst.idx.add.s32.msk $0xffff, v2;
	v27 =	vshll.u32 v27, $0x4  }
0x38e: {  	[tilespmem:v30+s12+$0x0] =	vst.idx.add.s32.msk $0xffff, v2;
	v28 =	vshll.u32 v28, $0x4;
	v27 =	vadd.s32 v6, v27  }
0x38f: {  	[tilespmem:v31+s12+$0x0] =	vst.idx.add.s32.msk $0xffff, v2;
	v32 =	vshll.u32 v46, $0x4;
	v28 =	vadd.s32 v6, v28  }
0x390: {  	v52 =	vld [tilespmem:$0x250];
	v33 =	vshll.u32 v48, $0x4;
	v51 =	vadd.s32 v6, v32  }
0x391: {  	v54 =	vld [tilespmem:$0x260];
	v34 =	vshll.u32 v50, $0x4;
	v53 =	vadd.s32 v6, v33  }
0x392: {  	v56 =	vld [tilespmem:$0x270];
	v55 =	vadd.s32 v6, v34  }
0x393: {  	[tilespmem:v27+s12+$0x0] =	vst.idx.add.s32.msk $0xffff, v2  }
0x394: {  	[tilespmem:v28+s12+$0x0] =	vst.idx.add.s32.msk $0xffff, v2  }
0x395: {  	[tilespmem:v51+s12+$0x0] =	vst.idx.add.s32.msk $0xffff, v2  }
0x396: {  	[tilespmem:v53+s12+$0x0] =	vst.idx.add.s32.msk $0xffff, v2  }
0x397: {  	v57 =	vshll.u32 v52, $0x4;
	[tilespmem:v55+s12+$0x0] =	vst.idx.add.s32.msk $0xffff, v2  }
0x398: {  	v59 =	vshll.u32 v54, $0x4;
	v29 =	vadd.s32 v6, v57;
	v27 =	vld [tilespmem:$0x280]  }
0x399: {  	v61 =	vshll.u32 v56, $0x4;
	v30 =	vadd.s32 v6, v59;
	v28 =	vld [tilespmem:$0x290]  }
0x39a: {  	v31 =	vadd.s32 v6, v61;
	v58 =	vld [tilespmem:$0x2A0]  }
0x39b: {  	v60 =	vld [tilespmem:$0x2B0]  }
0x39c: {  	v62 =	vld [tilespmem:$0x2C0]  }
0x39d: {  	[tilespmem:v29+s12+$0x0] =	vst.idx.add.s32.msk $0xffff, v2;
	v27 =	vshll.u32 v27, $0x4  }
0x39e: {  	[tilespmem:v30+s12+$0x0] =	vst.idx.add.s32.msk $0xffff, v2;
	v28 =	vshll.u32 v28, $0x4;
	v27 =	vadd.s32 v7, v27  }
0x39f: {  	[tilespmem:v31+s12+$0x0] =	vst.idx.add.s32.msk $0xffff, v2;
	v32 =	vshll.u32 v58, $0x4;
	v28 =	vadd.s32 v7, v28  }
0x3a0: {  	v36 =	vld [tilespmem:$0x2D0];
	v33 =	vshll.u32 v60, $0x4;
	v63 =	vadd.s32 v7, v32  }
0x3a1: {  	v38 =	vld [tilespmem:$0x2E0];
	v34 =	vshll.u32 v62, $0x4;
	v37 =	vadd.s32 v7, v33  }
0x3a2: {  	v40 =	vld [tilespmem:$0x2F0];
	v39 =	vadd.s32 v7, v34  }
0x3a3: {  	[tilespmem:v27+s12+$0x0] =	vst.idx.add.s32.msk $0xffff, v2  }
0x3a4: {  	[tilespmem:v28+s12+$0x0] =	vst.idx.add.s32.msk $0xffff, v2  }
0x3a5: {  	[tilespmem:v63+s12+$0x0] =	vst.idx.add.s32.msk $0xffff, v2  }
0x3a6: {  	[tilespmem:v37+s12+$0x0] =	vst.idx.add.s32.msk $0xffff, v2  }
0x3a7: {  	v41 =	vshll.u32 v36, $0x4;
	[tilespmem:v39+s12+$0x0] =	vst.idx.add.s32.msk $0xffff, v2  }
0x3a8: {  	v43 =	vshll.u32 v38, $0x4;
	v29 =	vadd.s32 v7, v41;
	v27 =	vld [tilespmem:$0x300]  }
0x3a9: {  	v45 =	vshll.u32 v40, $0x4;
	v30 =	vadd.s32 v7, v43;
	v28 =	vld [tilespmem:$0x310]  }
0x3aa: {  	v31 =	vadd.s32 v7, v45;
	v42 =	vld [tilespmem:$0x320]  }
0x3ab: {  	v44 =	vld [tilespmem:$0x330]  }
0x3ac: {  	v46 =	vld [tilespmem:$0x340]  }
0x3ad: {  	[tilespmem:v29+s12+$0x0] =	vst.idx.add.s32.msk $0xffff, v2;
	v27 =	vshll.u32 v27, $0x4  }
0x3ae: {  	[tilespmem:v30+s12+$0x0] =	vst.idx.add.s32.msk $0xffff, v2;
	v28 =	vshll.u32 v28, $0x4;
	v27 =	vadd.s32 v9, v27  }
0x3af: {  	[tilespmem:v31+s12+$0x0] =	vst.idx.add.s32.msk $0xffff, v2;
	v32 =	vshll.u32 v42, $0x4;
	v28 =	vadd.s32 v9, v28  }
0x3b0: {  	v48 =	vld [tilespmem:$0x350];
	v33 =	vshll.u32 v44, $0x4;
	v47 =	vadd.s32 v9, v32  }
0x3b1: {  	v50 =	vld [tilespmem:$0x360];
	v34 =	vshll.u32 v46, $0x4;
	v49 =	vadd.s32 v9, v33  }
0x3b2: {  	v52 =	vld [tilespmem:$0x370];
	v51 =	vadd.s32 v9, v34  }
0x3b3: {  	[tilespmem:v27+s12+$0x0] =	vst.idx.add.s32.msk $0xffff, v2  }
0x3b4: {  	[tilespmem:v28+s12+$0x0] =	vst.idx.add.s32.msk $0xffff, v2  }
0x3b5: {  	[tilespmem:v47+s12+$0x0] =	vst.idx.add.s32.msk $0xffff, v2  }
0x3b6: {  	[tilespmem:v49+s12+$0x0] =	vst.idx.add.s32.msk $0xffff, v2  }
0x3b7: {  	v53 =	vshll.u32 v48, $0x4;
	[tilespmem:v51+s12+$0x0] =	vst.idx.add.s32.msk $0xffff, v2  }
0x3b8: {  	v55 =	vshll.u32 v50, $0x4;
	v29 =	vadd.s32 v9, v53;
	v27 =	vld [tilespmem:$0x380]  }
0x3b9: {  	v57 =	vshll.u32 v52, $0x4;
	v30 =	vadd.s32 v9, v55;
	v28 =	vld [tilespmem:$0x390]  }
0x3ba: {  	v31 =	vadd.s32 v9, v57;
	v54 =	vld [tilespmem:$0x3A0]  }
0x3bb: {  	v56 =	vld [tilespmem:$0x3B0]  }
0x3bc: {  	v58 =	vld [tilespmem:$0x3C0]  }
0x3bd: {  	[tilespmem:v29+s12+$0x0] =	vst.idx.add.s32.msk $0xffff, v2  }
0x3be: {  	[tilespmem:v30+s12+$0x0] =	vst.idx.add.s32.msk $0xffff, v2  }
0x3bf: {  	[tilespmem:v31+s12+$0x0] =	vst.idx.add.s32.msk $0xffff, v2  }
0x3c0: {  	v29 =	vld [tilespmem:$0x3D0];
	v27 =	vshll.u32 v27, $0x4  }
0x3c1: {  	v30 =	vld [tilespmem:$0x3E0];
	v28 =	vshll.u32 v28, $0x4;
	v27 =	vadd.s32 v10, v27  }
0x3c2: {  	v59 =	vshll.u32 v54, $0x4;
	v60 =	vld [tilespmem:$0x3F0];
	v28 =	vadd.s32 v10, v28  }
0x3c3: {  	v33 =	vshll.u32 v56, $0x4;
	v31 =	vadd.s32 v10, v59  }
0x3c4: {  	v34 =	vshll.u32 v58, $0x4;
	v33 =	vadd.s32 v10, v33  }
0x3c5: {  	v34 =	vadd.s32 v10, v34;
	v29 =	vshll.u32 v29, $0x4  }
0x3c6: {  	v61 =	vshll.u32 v30, $0x4;
	[tilespmem:v27+s12+$0x0] =	vst.idx.add.s32.msk $0xffff, v2;
	v27 =	vadd.s32 v10, v29  }
0x3c7: {  	v63 =	vshll.u32 v60, $0x4;
	[tilespmem:v28+s12+$0x0] =	vst.idx.add.s32.msk $0xffff, v2;
	v62 =	vadd.s32 v10, v61  }
0x3c8: {  	[tilespmem:v31+s12+$0x0] =	vst.idx.add.s32.msk $0xffff, v2;
	v29 =	vadd.s32 v10, v63  }
0x3c9: {  	[tilespmem:v33+s12+$0x0] =	vst.idx.add.s32.msk $0xffff, v2  }
0x3ca: {  	[tilespmem:v34+s12+$0x0] =	vst.idx.add.s32.msk $0xffff, v2  }
0x3cb: {  	[tilespmem:v27+s12+$0x0] =	vst.idx.add.s32.msk $0xffff, v2  }
0x3cc: {  	[tilespmem:v62+s12+$0x0] =	vst.idx.add.s32.msk $0xffff, v2  }
0x3cd: {  	[tilespmem:v29+s12+$0x0] =	vst.idx.add.s32.msk $0xffff, v2  }
0x3ce: {  	[tilespmem:v1+s12+$0x0] =	vst.idx.add.s32.msk $0xffff, v11  }
0x3cf: {  	[tilespmem:v3+s12+$0x0] =	vst.idx.add.s32.msk $0xffff, v11  }
0x3d0: {  	[tilespmem:v4+s12+$0x0] =	vst.idx.add.s32.msk $0xffff, v11  }
0x3d1: {  	[tilespmem:v5+s12+$0x0] =	vst.idx.add.s32.msk $0xffff, v11  }
0x3d2: {  	[tilespmem:v6+s12+$0x0] =	vst.idx.add.s32.msk $0xffff, v11  }
0x3d3: {  	[tilespmem:v7+s12+$0x0] =	vst.idx.add.s32.msk $0xffff, v11  }
0x3d4: {  	[tilespmem:v9+s12+$0x0] =	vst.idx.add.s32.msk $0xffff, v11  }
0x3d5: {  	[tilespmem:v10+s12+$0x0] =	vst.idx.add.s32.msk $0xffff, v11  }
.LBB2_14:
0x3d6: {  	s17 =	simm.s32 $0x0  }
0x3d7: {  	v27 =	vor.u32 s17, v8  }
0x3d8: {  	v28 =	vor.u32 s17, v12  }
0x3d9: {  	v29 =	vor.u32 s17, v13  }
0x3da: {  	v30 =	vor.u32 s17, v14  }
0x3db: {  	v31 =	vor.u32 s17, v15  }
0x3dc: {  	v32 =	vor.u32 s17, v16;
	v27 =	vld.idx.msk [tilespmem:v27+s12+$0x0], $0xffff  }
0x3dd: {  	v33 =	vor.u32 s17, v17;
	v28 =	vld.idx.msk [tilespmem:v28+s12+$0x0], $0xffff  }
0x3de: {  	v34 =	vor.u32 s17, v18;
	v29 =	vld.idx.msk [tilespmem:v29+s12+$0x0], $0xffff  }
0x3df: {  	v35 =	vor.u32 s17, v19;
	v30 =	vld.idx.msk [tilespmem:v30+s12+$0x0], $0xffff  }
0x3e0: {  	v36 =	vor.u32 s17, v20;
	v31 =	vld.idx.msk [tilespmem:v31+s12+$0x0], $0xffff  }
0x3e1: {  	v37 =	vor.u32 s17, v21;
	v32 =	vld.idx.msk [tilespmem:v32+s12+$0x0], $0xffff  }
0x3e2: {  	v38 =	vor.u32 s17, v22;
	v33 =	vld.idx.msk [tilespmem:v33+s12+$0x0], $0xffff  }
0x3e3: {  	v39 =	vor.u32 s17, v23;
	v34 =	vld.idx.msk [tilespmem:v34+s12+$0x0], $0xffff  }
0x3e4: {  	v40 =	vor.u32 s17, v24;
	v35 =	vld.idx.msk [tilespmem:v35+s12+$0x0], $0xffff  }
0x3e5: {  	v41 =	vor.u32 s17, v25;
	v36 =	vld.idx.msk [tilespmem:v36+s12+$0x0], $0xffff  }
0x3e6: {  	s19 =	simm.s32 $0x100;
	v42 =	vor.u32 s17, v26;
	v37 =	vld.idx.msk [tilespmem:v37+s12+$0x0], $0xffff;
	v27 =	vadd.s32 v27, v28  }
0x3e7: {  	v43 =	vor.u32 s19, v8;
	v38 =	vld.idx.msk [tilespmem:v38+s12+$0x0], $0xffff;
	v27 =	vadd.s32 v29, v27  }
0x3e8: {  	v52 =	vor.u32 s19, v16;
	v39 =	vld.idx.msk [tilespmem:v39+s12+$0x0], $0xffff;
	v27 =	vadd.s32 v30, v27  }
0x3e9: {  	v40 =	vld.idx.msk [tilespmem:v40+s12+$0x0], $0xffff;
	v28 =	vor.u32 s19, v12;
	v27 =	vadd.s32 v31, v27  }
0x3ea: {  	v41 =	vld.idx.msk [tilespmem:v41+s12+$0x0], $0xffff;
	v29 =	vor.u32 s19, v13;
	v27 =	vadd.s32 v32, v27  }
0x3eb: {  	v42 =	vld.idx.msk [tilespmem:v42+s12+$0x0], $0xffff;
	v30 =	vor.u32 s19, v14;
	v27 =	vadd.s32 v33, v27  }
0x3ec: {  	v51 =	vld.idx.msk [tilespmem:v43+s12+$0x0], $0xffff;
	v31 =	vor.u32 s19, v15;
	v27 =	vadd.s32 v34, v27  }
0x3ed: {  	v60 =	vor.u32 s19, v23;
	v57 =	vld.idx.msk [tilespmem:v52+s12+$0x0], $0xffff;
	v27 =	vadd.s32 v35, v27  }
0x3ee: {  	v53 =	vor.u32 s19, v17;
	v28 =	vld.idx.msk [tilespmem:v28+s12+$0x0], $0xffff;
	v27 =	vadd.s32 v36, v27  }
0x3ef: {  	v54 =	vor.u32 s19, v18;
	v29 =	vld.idx.msk [tilespmem:v29+s12+$0x0], $0xffff;
	v27 =	vadd.s32 v37, v27  }
0x3f0: {  	v55 =	vor.u32 s19, v19;
	v30 =	vld.idx.msk [tilespmem:v30+s12+$0x0], $0xffff;
	v27 =	vadd.s32 v38, v27  }
0x3f1: {  	v56 =	vor.u32 s19, v20;
	v31 =	vld.idx.msk [tilespmem:v31+s12+$0x0], $0xffff;
	v39 =	vadd.s32 v39, v27  }
0x3f2: {  	v58 =	vor.u32 s19, v21;
	v32 =	vld.idx.msk [tilespmem:v60+s12+$0x0], $0xffff;
	v61 =	vadd.s32 v40, v39  }
0x3f3: {  	v59 =	vor.u32 s19, v22;
	v33 =	vld.idx.msk [tilespmem:v53+s12+$0x0], $0xffff;
	v28 =	vadd.s32 v51, v28;
	v34 =	vadd.s32 v41, v61  }
0x3f4: {  	v27 =	vld.idx.msk [tilespmem:v54+s12+$0x0], $0xffff;
	v29 =	vadd.s32 v29, v28;
	v62 =	vadd.s32 v42, v34;
	v34 =	vor.u32 s19, v24  }
0x3f5: {  	v36 =	vor.u32 s19, v25;
	v28 =	vld.idx.msk [tilespmem:v55+s12+$0x0], $0xffff;
	v30 =	vadd.s32 v30, v29  }
0x3f6: {  	s18 =	simm.s32 $0x200;
	v35 =	vor.u32 s19, v26;
	v29 =	vld.idx.msk [tilespmem:v56+s12+$0x0], $0xffff;
	v31 =	vadd.s32 v31, v30  }
0x3f7: {  	s17 =	simm.s32 $0x17800;
	v38 =	vor.u32 s18, v8;
	v30 =	vld.idx.msk [tilespmem:v58+s12+$0x0], $0xffff;
	v63 =	vadd.s32 v57, v31  }
0x3f8: {  	v37 =	vor.u32 s18, v12;
	v31 =	vld.idx.msk [tilespmem:v59+s12+$0x0], $0xffff;
	s19 =	simm.s32 $0x300;
	[tilespmem:s17+$0x0] =	vst v62;
	v33 =	vadd.s32 v33, v63  }
.LBB2_15:
0x3f9: {  	p1 =	sne.s32 s19, $0x7F00;
	v39 =	vor.u32 s18, v13;
	v27 =	vadd.s32 v27, v33;
	v33 =	vld.idx.msk [tilespmem:v34+s12+$0x0], $0xffff  }
0x3fa: {  	v34 =	vor.u32 s18, v14;
	v27 =	vadd.s32 v28, v27;
	v28 =	vld.idx.msk [tilespmem:v36+s12+$0x0], $0xffff  }
0x3fb: {  	v36 =	vor.u32 s18, v15;
	v27 =	vadd.s32 v29, v27;
	v29 =	vld.idx.msk [tilespmem:v35+s12+$0x0], $0xffff  }
0x3fc: {  	v35 =	vld.idx.msk [tilespmem:v38+s12+$0x0], $0xffff;
	v38 =	vor.u32 s18, v16;
	v27 =	vadd.s32 v30, v27  }
0x3fd: {  	v30 =	vld.idx.msk [tilespmem:v37+s12+$0x0], $0xffff;
	v37 =	vor.u32 s18, v17;
	v27 =	vadd.s32 v31, v27  }
0x3fe: {  	v31 =	vld.idx.msk [tilespmem:v39+s12+$0x0], $0xffff;
	v39 =	vor.u32 s18, v18;
	v27 =	vadd.s32 v32, v27  }
0x3ff: {  	v32 =	vld.idx.msk [tilespmem:v34+s12+$0x0], $0xffff;
	v34 =	vor.u32 s18, v19;
	v27 =	vadd.s32 v33, v27  }
0x400: {  	v33 =	vld.idx.msk [tilespmem:v36+s12+$0x0], $0xffff;
	v36 =	vor.u32 s18, v20;
	v27 =	vadd.s32 v28, v27  }
0x401: {  	s17 =	sadd.s32 $0x10, s17;
	v40 =	vld.idx.msk [tilespmem:v38+s12+$0x0], $0xffff;
	v38 =	vor.u32 s18, v21;
	v27 =	vadd.s32 v29, v27  }
0x402: {  	v41 =	vld.idx.msk [tilespmem:v37+s12+$0x0], $0xffff;
	v37 =	vor.u32 s18, v22;
	[tilespmem:s17+$0x0] =	vst v27  }
0x403: {  	v28 =	vadd.s32 v35, v30;
	v27 =	vld.idx.msk [tilespmem:v39+s12+$0x0], $0xffff;
	v39 =	vor.u32 s18, v23  }
.Ltmp7:
0x404: {  	v29 =	vadd.s32 v31, v28;
	v28 =	vld.idx.msk [tilespmem:v34+s12+$0x0], $0xffff;
	v34 =	vor.u32 s18, v24;
	(pc) =	sbr.rel @p1 .LBB2_15-.Ltmp7, $4  }
0x405: {  	v30 =	vadd.s32 v32, v29;
	v29 =	vld.idx.msk [tilespmem:v36+s12+$0x0], $0xffff;
	v36 =	vor.u32 s18, v25  }
0x406: {  	v35 =	vor.u32 s18, v26;
	v31 =	vadd.s32 v33, v30;
	s18 =	smov.u32 s19;
	v30 =	vld.idx.msk [tilespmem:v38+s12+$0x0], $0xffff  }
0x407: {  	v38 =	vor.u32 s19, v8;
	v32 =	vadd.s32 v40, v31;
	v31 =	vld.idx.msk [tilespmem:v37+s12+$0x0], $0xffff  }
0x408: {  	s19 =	sadd.s32 $0x100, s19;
	v37 =	vor.u32 s18, v12;
	v33 =	vadd.s32 v41, v32;
	v32 =	vld.idx.msk [tilespmem:v39+s12+$0x0], $0xffff  }
0x409: {  	_ =	sdelay $0x3  }
0x40a: {  	v39 =	vor.u32 s18, v13;
	v34 =	vld.idx.msk [tilespmem:v34+s12+$0x0], $0xffff  }
0x40b: {  	v40 =	vor.u32 s18, v14;
	v36 =	vld.idx.msk [tilespmem:v36+s12+$0x0], $0xffff  }
0x40c: {  	v41 =	vor.u32 s18, v15;
	v35 =	vld.idx.msk [tilespmem:v35+s12+$0x0], $0xffff  }
0x40d: {  	v38 =	vld.idx.msk [tilespmem:v38+s12+$0x0], $0xffff;
	v42 =	vor.u32 s18, v16  }
0x40e: {  	v37 =	vld.idx.msk [tilespmem:v37+s12+$0x0], $0xffff;
	v43 =	vor.u32 s18, v17  }
0x40f: {  	v44 =	vor.u32 s18, v18;
	v39 =	vld.idx.msk [tilespmem:v39+s12+$0x0], $0xffff  }
0x410: {  	v45 =	vor.u32 s18, v19;
	v40 =	vld.idx.msk [tilespmem:v40+s12+$0x0], $0xffff  }
0x411: {  	v46 =	vor.u32 s18, v20;
	v41 =	vld.idx.msk [tilespmem:v41+s12+$0x0], $0xffff  }
0x412: {  	v47 =	vor.u32 s18, v21;
	v42 =	vld.idx.msk [tilespmem:v42+s12+$0x0], $0xffff  }
0x413: {  	v52 =	vor.u32 s18, v22;
	v43 =	vld.idx.msk [tilespmem:v43+s12+$0x0], $0xffff;
	v37 =	vadd.s32 v38, v37  }
0x414: {  	v53 =	vor.u32 s18, v23;
	v44 =	vld.idx.msk [tilespmem:v44+s12+$0x0], $0xffff;
	v37 =	vadd.s32 v39, v37  }
0x415: {  	v54 =	vor.u32 s18, v24;
	v45 =	vld.idx.msk [tilespmem:v45+s12+$0x0], $0xffff;
	v37 =	vadd.s32 v40, v37  }
0x416: {  	v55 =	vor.u32 s18, v25;
	v46 =	vld.idx.msk [tilespmem:v46+s12+$0x0], $0xffff;
	v37 =	vadd.s32 v41, v37  }
0x417: {  	v56 =	vor.u32 s18, v26;
	v47 =	vld.idx.msk [tilespmem:v47+s12+$0x0], $0xffff;
	v37 =	vadd.s32 v42, v37  }
0x418: {  	v27 =	vadd.s32 v27, v33;
	v58 =	vld.idx.msk [tilespmem:v52+s12+$0x0], $0xffff;
	v57 =	vadd.s32 v43, v37  }
0x419: {  	v27 =	vadd.s32 v28, v27;
	v60 =	vld.idx.msk [tilespmem:v53+s12+$0x0], $0xffff;
	v59 =	vadd.s32 v44, v57  }
0x41a: {  	v27 =	vadd.s32 v29, v27;
	v61 =	vld.idx.msk [tilespmem:v54+s12+$0x0], $0xffff;
	v28 =	vadd.s32 v45, v59  }
0x41b: {  	v27 =	vadd.s32 v30, v27;
	v62 =	vld.idx.msk [tilespmem:v55+s12+$0x0], $0xffff;
	v28 =	vadd.s32 v46, v28  }
0x41c: {  	v27 =	vadd.s32 v31, v27;
	v63 =	vld.idx.msk [tilespmem:v56+s12+$0x0], $0xffff;
	v28 =	vadd.s32 v47, v28  }
0x41d: {  	v27 =	vadd.s32 v32, v27;
	v28 =	vadd.s32 v58, v28  }
0x41e: {  	v27 =	vadd.s32 v34, v27;
	v28 =	vadd.s32 v60, v28  }
0x41f: {  	v27 =	vadd.s32 v36, v27;
	v28 =	vadd.s32 v61, v28  }
0x420: {  	s17 =	sadd.s32 $0x10, s17;
	s16 =	sadd.s32 $0x1, s16;
	v27 =	vadd.s32 v35, v27;
	v28 =	vadd.s32 v62, v28  }
0x421: {  	p1 =	sne.s32 s16, s9;
	[tilespmem:s17+$0x0] =	vst v27;
	s17 =	sadd.s32 $0x10, s17;
	v27 =	vadd.s32 v63, v28  }
.Ltmp8:
0x422: {  	[tilespmem:s17+$0x0] =	vst v27;
	(pc) =	sbr.rel @p1 .LBB2_1-.Ltmp8, $4  }
0x423: {  	[hbm4b:s8+s2] =	stream.linear.scatter [tilespmem:s15], [sflag:$0x3], $0x800, $0x38;
	[tilespmem:$0x18000] =	vst v63  }
0x424: {  	_ =	swait.ge [sflag:s14], $0x800  }
0x425: {  	[sflag:s14] =	ssyncset.done $0x0  }
0x426: {  	[sflag:s14] =	ssyncadd.s32 $0xFFFFF800  }
0x427: {  	_ =	sfence.sel $0x180000  }
0x428: {  	[bflag:$0x0] =	sbarrier.arrive $0xFFFF  }
0x429: {  	p0 =	sne.s32 s0, $0x0;
	_ =	strace $0x90000047  }
0x42a: {  	s0 =	sadd.s32 @!p0 $0x100000, s1;
	[bflag:$0x2] =	sbarrier.arrive $0xFFFF  }
0x42b: {  	[sflag:s0] =	ssyncadd.tile.s32 @!p0 $0x1;
	_ =	shalt  }
.Lfunc_end2:
_tile_overlayer_lowered:
.L_overlay_start_2:
0x42c: {  	(tag) =	ssettag $0x2  }
0x42d: {  	s0 =	rddreg [dreg:$0x0];
	s2 =	stileid.u32  }
0x42e: {  	s1 =	rddreg [dreg:$0x1];
	p0 =	sne.s32 s2, $0x0  }
0x42f: {  	s3 =	rddreg [dreg:$0x2];
	[bflag:$0x3] =	sbarrier.arrive $0xFFFF;
	s2 =	simm.s32 @!p0 $0x1C03  }
0x430: {  	[timem:s3], [sflag:s2] =	dma.local @!p0 [hbm:s0], s1  }
0x431: {  	s0 =	simm.s32 @!p0 $0x3  }
0x432: {  	_ =	swait.ge @!p0 [sflag:s0], s1  }
0x433: {  	s1 =	ssub.s32 @!p0 $0x0, s1;
	[sflag:s0] =	ssyncset.done @!p0 $0x0  }
0x434: {  	[sflag:s0] =	ssyncadd.s32 @!p0 s1  }
0x435: {  	[bflag:$0x3] =	sbarrier.arrive $0xFFFF  }
0x436: {  	_ =	shalt  }

</sc_bundles>
